<compile_context>
chip_gen: v7x
topology: tpu7x:2x2x1
jax: 0.10.2.dev20260603
libtpu: 0.0.44.dev20260713+nightly
codegen_flags: <defaults>
</compile_context>

<pallas_src>
import jax
import jax.numpy as jnp
from jax import lax
from jax.experimental import pallas as pl
from jax.experimental.pallas import tpu as pltpu
from jax.experimental.pallas import tpu_sc as plsc

N_NODES = 10000
N_EDGES = 320000
EMB = 128

NC = 2
NS = 16
NW = NC * NS
EDGES_PER_TILE = N_EDGES // NW
CHUNK = 80
STEPS = EDGES_PER_TILE // CHUNK
GCHUNKS = 25
GEDGES = GCHUNKS * CHUNK
NGROUPS = STEPS // GCHUNKS
N_PAD = 10240
ROWS_PER_TILE = N_PAD // NS
HROWS = N_PAD // EMB
VW = 16


def _fill_rows(ref, nrows, ncols, value):
    v = jnp.full((VW,), value, jnp.float32)

    def body(r, carry):
        for j in range(ncols // VW):
            ref[r, pl.ds(j * VW, VW)] = v
        return carry

    lax.fori_loop(0, nrows, body, 0)


def _sc_body(x_hbm, src_hbm, dst_hbm, acc_out, deg_out,
             src_g0, dst_g0, src_g1, dst_g1, rows_a, rows_b, hist_v, iota_v,
             sem_a, sem_b, isem_s0, isem_d0, isem_s1, isem_d1,
             acc_sp, deg_sp):
    c = lax.axis_index("c")
    s = lax.axis_index("s")
    wid = c * NS + s

    _fill_rows(hist_v, HROWS, EMB, 0.0)
    row0 = s * ROWS_PER_TILE
    for k in range(ROWS_PER_TILE // HROWS):
        pltpu.sync_copy(hist_v, acc_sp.at[pl.ds(row0 + k * HROWS, HROWS), :])

    @pl.when(s < HROWS // 8)
    def _zero_deg():
        pltpu.sync_copy(hist_v.at[pl.ds(0, 8), :],
                        deg_sp.at[pl.ds(s * 8, 8), :])

    for j in range(HROWS // VW):
        iota_v[pl.ds(j * VW, VW)] = lax.iota(jnp.int32, VW) + j * VW
    plsc.subcore_barrier()

    ebase = wid * EDGES_PER_TILE
    ones = jnp.full((VW,), 1.0, jnp.float32)

    def consume(dv, rv):
        for j in range(CHUNK // VW):
            d = dv[pl.ds(j * VW, VW)]
            plsc.addupdate_scatter(
                hist_v,
                (lax.shift_right_logical(d, 7), lax.bitwise_and(d, 127)),
                ones)

    src_g = (src_g0, src_g1)
    dst_g = (dst_g0, dst_g1)
    isems = ((isem_s0, isem_d0), (isem_s1, isem_d1))

    def prefetch(g):
        b = g % 2
        off = ebase + g * GEDGES
        pltpu.async_copy(src_hbm.at[pl.ds(off, GEDGES)], src_g[b], isems[b][0])
        pltpu.async_copy(dst_hbm.at[pl.ds(off, GEDGES)], dst_g[b], isems[b][1])

    prefetch(0)
    for g in range(NGROUPS):
        b = g % 2
        sg, dg = src_g[b], dst_g[b]
        pltpu.make_async_copy(src_hbm.at[pl.ds(0, GEDGES)], sg,
                              isems[b][0]).wait()
        pltpu.make_async_copy(dst_hbm.at[pl.ds(0, GEDGES)], dg,
                              isems[b][1]).wait()
        if g + 1 < NGROUPS:
            prefetch(g + 1)

        def sv(i):
            return sg.at[pl.ds(i * CHUNK, CHUNK)]

        def dv(i):
            return dg.at[pl.ds(i * CHUNK, CHUNK)]

        pltpu.async_copy(x_hbm.at[sv(0)], rows_a, sem_a)

        def pair(k, carry):
            i = 2 * k
            gb = pltpu.async_copy(x_hbm.at[sv(i + 1)], rows_b, sem_b)
            pltpu.make_async_copy(x_hbm.at[sv(i)], rows_a, sem_a).wait()
            consume(dv(i), rows_a)
            pltpu.async_copy(x_hbm.at[sv(i + 2)], rows_a, sem_a)
            gb.wait()
            consume(dv(i + 1), rows_b)
            return carry

        lax.fori_loop(0, (GCHUNKS - 1) // 2, pair, 0)
        pltpu.make_async_copy(x_hbm.at[sv(GCHUNKS - 1)], rows_a, sem_a).wait()
        consume(dv(GCHUNKS - 1), rows_a)

    pltpu.sync_copy(hist_v, deg_sp.at[iota_v], add=True)
    plsc.subcore_barrier()

    out0 = c * N_PAD + row0
    pltpu.sync_copy(acc_sp.at[pl.ds(row0, ROWS_PER_TILE), :],
                    acc_out.at[pl.ds(out0, ROWS_PER_TILE), :])

    @pl.when(s < HROWS // 8)
    def _copy_deg():
        pltpu.sync_copy(deg_sp.at[pl.ds(s * 8, 8), :],
                        deg_out.at[pl.ds(c * HROWS + s * 8, 8), :])


def _sc_aggregate(x, src, dst):
    mesh = plsc.VectorSubcoreMesh(core_axis_name="c", subcore_axis_name="s")
    f = pl.kernel(
        _sc_body,
        out_type=(
            jax.ShapeDtypeStruct((NC * N_PAD, EMB), jnp.float32),
            jax.ShapeDtypeStruct((NC * HROWS, EMB), jnp.float32),
        ),
        mesh=mesh,
        compiler_params=pltpu.CompilerParams(needs_layout_passes=False),
        scratch_types=[
            pltpu.VMEM((GEDGES,), jnp.int32),
            pltpu.VMEM((GEDGES,), jnp.int32),
            pltpu.VMEM((GEDGES,), jnp.int32),
            pltpu.VMEM((GEDGES,), jnp.int32),
            pltpu.VMEM((CHUNK, EMB), jnp.float32),
            pltpu.VMEM((CHUNK, EMB), jnp.float32),
            pltpu.VMEM((HROWS, EMB), jnp.float32),
            pltpu.VMEM((HROWS,), jnp.int32),
            pltpu.SemaphoreType.DMA,
            pltpu.SemaphoreType.DMA,
            pltpu.SemaphoreType.DMA,
            pltpu.SemaphoreType.DMA,
            pltpu.SemaphoreType.DMA,
            pltpu.SemaphoreType.DMA,
            pltpu.VMEM_SHARED((N_PAD, EMB), jnp.float32),
            pltpu.VMEM_SHARED((HROWS, EMB), jnp.float32),
        ],
    )
    return f(x, src, dst)


def _tc_body(x_ref, acc_ref, deg_ref, w_ref, b_ref, out_ref):
    neigh = acc_ref[0] + acc_ref[1]
    deg = deg_ref[:, 0:1] + deg_ref[:, 1:2]
    agg = (x_ref[...] + neigh) * lax.rsqrt(deg + 1.0)
    h = lax.dot_general(agg, w_ref[...], (((1,), (1,)), ((), ())),
                        preferred_element_type=jnp.float32) + b_ref[...]
    out_ref[...] = jnp.where(h > 0, h, 0.2 * h)


def _tc_finish(x, acc, deg_t, W, b):
    R = 2000
    grid = (N_NODES // R,)
    return pl.pallas_call(
        _tc_body,
        grid=grid,
        in_specs=[
            pl.BlockSpec((R, EMB), lambda i: (i, 0)),
            pl.BlockSpec((NC, R, EMB), lambda i: (0, i, 0)),
            pl.BlockSpec((R, NC), lambda i: (i, 0)),
            pl.BlockSpec((EMB, EMB), lambda i: (0, 0)),
            pl.BlockSpec((1, EMB), lambda i: (0, 0)),
        ],
        out_specs=pl.BlockSpec((R, EMB), lambda i: (i, 0)),
        out_shape=jax.ShapeDtypeStruct((N_NODES, EMB), jnp.float32),
    )(x, acc, deg_t, W, b)


@jax.jit
def kernel(x, edge_index, W, b):
    src = edge_index[0]
    dst = edge_index[1]
    acc, deg = _sc_aggregate(x, src, dst)
    acc = acc.reshape(NC, N_PAD, EMB)
    deg_t = deg.reshape(NC, N_PAD).T
    return _tc_finish(x, acc, deg_t, W, b.reshape(1, EMB))

# --- scband reference (transcript-rebuilt; emitter-appended) ---
"""Pipeline reference for scband-gcn-13769665151469 (READ-ONLY COPY).

The authoritative reference and input builder live on the scoring server;
editing this copy changes nothing except your own understanding.
"""

import jax, jax.numpy as jnp
import numpy as np

N_NODES = 10000
N_EDGES = 320000
EMB = 128

def setup_inputs(seed: int = 0) -> dict:
    key = jax.random.key(seed)
    k1, k2, k3, k4 = jax.random.split(key, 4)
    x = jax.random.normal(k1, (N_NODES, EMB), dtype=jnp.float32)
    edge_index = jax.random.randint(k2, (2, N_EDGES), 0, N_NODES, dtype=jnp.int32)
    # parameters of nn.Linear(emb_size, emb_size)
    bound = 1.0 / np.sqrt(EMB)
    W = jax.random.uniform(k3, (EMB, EMB), dtype=jnp.float32, minval=-bound, maxval=bound)
    b = jax.random.uniform(k4, (EMB,), dtype=jnp.float32, minval=-bound, maxval=bound)
    return {"x": x, "edge_index": edge_index, "W": W, "b": b}

def reference(x, edge_index, W, b):
    # Tensorized form of the per-node GCN forward:
    #   nb = f[x] + sum_{(x,p,o) in g} f[o]; nb /= sqrt(1 + deg(x));
    #   res = leaky_relu(Linear(nb), 0.2)
    N = x.shape[0]
    src = edge_index[0]
    dst = edge_index[1]
    # neighbor feature gather + scatter-add (segment sum) onto destination nodes
    neigh_sum = jax.ops.segment_sum(jnp.take(x, src, axis=0), dst, num_segments=N)
    deg = jax.ops.segment_sum(jnp.ones((src.shape[0],), dtype=x.dtype), dst, num_segments=N)
    agg = (x + neigh_sum) / jnp.sqrt(deg + 1.0)[:, None]
    h = agg @ W.T + b
    return jnp.where(h > 0, h, 0.2 * h)

if __name__ == "__main__":
    import jax
    _d = setup_inputs()
    print(jax.jit(kernel)(*tuple(_d.values())))

</pallas_src>

<mosaic_0001>
#map = affine_map<(d0, d1) -> (0, 0)>
#map1 = affine_map<(d0, d1) -> (0)>
module attributes {stable_mosaic.version = 14 : i64} {
  func.func @_sc_body(%arg0: i32, %arg1: i32, %arg2: memref<10000x128xf32, #tpu.memory_space<hbm>>, %arg3: memref<320000xi32, #tpu.memory_space<hbm>>, %arg4: memref<320000xi32, #tpu.memory_space<hbm>>, %arg5: memref<20480x128xf32, #tpu.memory_space<hbm>>, %arg6: memref<160x128xf32, #tpu.memory_space<hbm>>, %arg7: memref<2000xi32, #tpu.memory_space<vmem>>, %arg8: memref<2000xi32, #tpu.memory_space<vmem>>, %arg9: memref<2000xi32, #tpu.memory_space<vmem>>, %arg10: memref<2000xi32, #tpu.memory_space<vmem>>, %arg11: memref<80x128xf32, #tpu.memory_space<vmem>>, %arg12: memref<80x128xf32, #tpu.memory_space<vmem>>, %arg13: memref<80x128xf32, #tpu.memory_space<vmem>>, %arg14: memref<80xi32, #tpu.memory_space<vmem>>, %arg15: memref<!tpu.dma_semaphore, #tpu.memory_space<semaphore_mem>>, %arg16: memref<!tpu.dma_semaphore, #tpu.memory_space<semaphore_mem>>, %arg17: memref<!tpu.dma_semaphore, #tpu.memory_space<semaphore_mem>>, %arg18: memref<!tpu.dma_semaphore, #tpu.memory_space<semaphore_mem>>, %arg19: memref<!tpu.dma_semaphore, #tpu.memory_space<semaphore_mem>>, %arg20: memref<!tpu.dma_semaphore, #tpu.memory_space<semaphore_mem>>, %arg21: memref<10240x128xf32, #tpu.memory_space<vmem_shared>>, %arg22: memref<80x128xf32, #tpu.memory_space<vmem_shared>>) attributes {dimension_semantics = [#tpu.dimension_semantics<core_parallel>, #tpu.dimension_semantics<subcore_parallel>], iteration_bounds = array<i64: 2, 16>, scalar_prefetch = 0 : i64, scratch_operands = 16 : i64, tpu.core_type = #tpu.core_type<sc_vector_subcore>, window_params = [{transform_indices = #map}, {transform_indices = #map1}, {transform_indices = #map1}, {transform_indices = #map}, {transform_indices = #map}]} {
    %mul3A = arith.constant 16 : i32
    %mul3A_0 = arith.muli %arg0, %mul3A : i32
    %add3A = arith.addi %mul3A_0, %arg1 : i32
    %broadcast_in_dim3A = arith.constant 0.000000e+00 : f32
    %broadcast_in_dim3A_1 = vector.broadcast %broadcast_in_dim3A : f32 to vector<16xf32>
    %scan3A = arith.constant 0 : i32
    %scan3A_2 = arith.constant 0 : i32
    %scan3A_3 = arith.constant 80 : i32
    %scan3A_4 = arith.addi %scan3A_2, %scan3A_3 : i32
    %scan3A_5 = arith.constant 1 : i32
    scf.for %scan3A_463 = %scan3A_2 to %scan3A_4 step %scan3A_5  : i32 {
      %swap3A_464 = arith.index_cast %scan3A_463 : i32 to index
      %swap3A_465 = arith.constant 0 : index
      %swap3A_466 = tpu.vector_load %arg13[%swap3A_464, %swap3A_465] {strides = array<i32>} : memref<80x128xf32, #tpu.memory_space<vmem>>, vector<16xf32>,
      tpu.vector_store %arg13[%swap3A_464, %swap3A_465], %broadcast_in_dim3A_1 {strides = array<i32>} : memref<80x128xf32, #tpu.memory_space<vmem>>, vector<16xf32>,
      %swap3A_467 = arith.index_cast %scan3A_463 : i32 to index
      %swap3A_468 = arith.constant 16 : index
      %swap3A_469 = tpu.vector_load %arg13[%swap3A_467, %swap3A_468] {strides = array<i32>} : memref<80x128xf32, #tpu.memory_space<vmem>>, vector<16xf32>,
      tpu.vector_store %arg13[%swap3A_467, %swap3A_468], %broadcast_in_dim3A_1 {strides = array<i32>} : memref<80x128xf32, #tpu.memory_space<vmem>>, vector<16xf32>,
      %swap3A_470 = arith.index_cast %scan3A_463 : i32 to index
      %swap3A_471 = arith.constant 32 : index
      %swap3A_472 = tpu.vector_load %arg13[%swap3A_470, %swap3A_471] {strides = array<i32>} : memref<80x128xf32, #tpu.memory_space<vmem>>, vector<16xf32>,
      tpu.vector_store %arg13[%swap3A_470, %swap3A_471], %broadcast_in_dim3A_1 {strides = array<i32>} : memref<80x128xf32, #tpu.memory_space<vmem>>, vector<16xf32>,
      %swap3A_473 = arith.index_cast %scan3A_463 : i32 to index
      %swap3A_474 = arith.constant 48 : index
      %swap3A_475 = tpu.vector_load %arg13[%swap3A_473, %swap3A_474] {strides = array<i32>} : memref<80x128xf32, #tpu.memory_space<vmem>>, vector<16xf32>,
      tpu.vector_store %arg13[%swap3A_473, %swap3A_474], %broadcast_in_dim3A_1 {strides = array<i32>} : memref<80x128xf32, #tpu.memory_space<vmem>>, vector<16xf32>,
      %swap3A_476 = arith.index_cast %scan3A_463 : i32 to index
      %swap3A_477 = arith.constant 64 : index
      %swap3A_478 = tpu.vector_load %arg13[%swap3A_476, %swap3A_477] {strides = array<i32>} : memref<80x128xf32, #tpu.memory_space<vmem>>, vector<16xf32>,
      tpu.vector_store %arg13[%swap3A_476, %swap3A_477], %broadcast_in_dim3A_1 {strides = array<i32>} : memref<80x128xf32, #tpu.memory_space<vmem>>, vector<16xf32>,
      %swap3A_479 = arith.index_cast %scan3A_463 : i32 to index
      %swap3A_480 = arith.constant 80 : index
      %swap3A_481 = tpu.vector_load %arg13[%swap3A_479, %swap3A_480] {strides = array<i32>} : memref<80x128xf32, #tpu.memory_space<vmem>>, vector<16xf32>,
      tpu.vector_store %arg13[%swap3A_479, %swap3A_480], %broadcast_in_dim3A_1 {strides = array<i32>} : memref<80x128xf32, #tpu.memory_space<vmem>>, vector<16xf32>,
      %swap3A_482 = arith.index_cast %scan3A_463 : i32 to index
      %swap3A_483 = arith.constant 96 : index
      %swap3A_484 = tpu.vector_load %arg13[%swap3A_482, %swap3A_483] {strides = array<i32>} : memref<80x128xf32, #tpu.memory_space<vmem>>, vector<16xf32>,
      tpu.vector_store %arg13[%swap3A_482, %swap3A_483], %broadcast_in_dim3A_1 {strides = array<i32>} : memref<80x128xf32, #tpu.memory_space<vmem>>, vector<16xf32>,
      %swap3A_485 = arith.index_cast %scan3A_463 : i32 to index
      %swap3A_486 = arith.constant 112 : index
      %swap3A_487 = tpu.vector_load %arg13[%swap3A_485, %swap3A_486] {strides = array<i32>} : memref<80x128xf32, #tpu.memory_space<vmem>>, vector<16xf32>,
      tpu.vector_store %arg13[%swap3A_485, %swap3A_486], %broadcast_in_dim3A_1 {strides = array<i32>} : memref<80x128xf32, #tpu.memory_space<vmem>>, vector<16xf32>,
    }
    %scan3A_6 = arith.constant 80 : i32
    %mul3A_7 = arith.constant 640 : i32
    %mul3A_8 = arith.muli %arg1, %mul3A_7 : i32
    %add3A_9 = arith.constant 0 : i32
    %add3A_10 = arith.addi %mul3A_8, %add3A_9 : i32
    "tpu.region"() ({
      %run_scoped3A = tpu.sem_alloc : memref<!tpu.dma_semaphore, #tpu.memory_space<semaphore_mem>>
      %dma_start3A_463 = arith.constant 0 : i32
      %dma_start3A_464 = tpu.memref_slice %arg21[%add3A_10, %dma_start3A_463] : memref<10240x128xf32, #tpu.memory_space<vmem_shared>> -> memref<80x128xf32, #tpu.memory_space<vmem_shared>>
      %dma_start3A_465 = arith.constant 0 : i32
      %dma_start3A_466 = tpu.memref_slice %arg21[%add3A_10, %dma_start3A_465] : memref<10240x128xf32, #tpu.memory_space<vmem_shared>> -> memref<80x128xf32, #tpu.memory_space<vmem_shared>>
      tpu.enqueue_dma source(%arg13 : memref<80x128xf32, #tpu.memory_space<vmem>>) target(%dma_start3A_466 : memref<80x128xf32, #tpu.memory_space<vmem_shared>>) target_semaphore(%run_scoped3A : memref<!tpu.dma_semaphore, #tpu.memory_space<semaphore_mem>>)
      %dma_wait3A_467 = arith.constant 0 : i32
      %dma_wait3A_468 = tpu.memref_slice %arg21[%add3A_10, %dma_wait3A_467] : memref<10240x128xf32, #tpu.memory_space<vmem_shared>> -> memref<80x128xf32, #tpu.memory_space<vmem_shared>>
      %dma_wait3A_469 = arith.constant 0 : i32
      %dma_wait3A_470 = tpu.memref_slice %arg21[%add3A_10, %dma_wait3A_469] : memref<10240x128xf32, #tpu.memory_space<vmem_shared>> -> memref<80x128xf32, #tpu.memory_space<vmem_shared>>
      tpu.wait_dma2 semaphore(%run_scoped3A : memref<!tpu.dma_semaphore, #tpu.memory_space<semaphore_mem>>) src(%arg13 : memref<80x128xf32, #tpu.memory_space<vmem>>) dst(%dma_wait3A_470 : memref<80x128xf32, #tpu.memory_space<vmem_shared>>)
      tpu.yield
    }) : () -> ()
    %add3A_11 = arith.constant 80 : i32
    %add3A_12 = arith.addi %mul3A_8, %add3A_11 : i32
    "tpu.region"() ({
      %run_scoped3A = tpu.sem_alloc : memref<!tpu.dma_semaphore, #tpu.memory_space<semaphore_mem>>
      %dma_start3A_463 = arith.constant 0 : i32
      %dma_start3A_464 = tpu.memref_slice %arg21[%add3A_12, %dma_start3A_463] : memref<10240x128xf32, #tpu.memory_space<vmem_shared>> -> memref<80x128xf32, #tpu.memory_space<vmem_shared>>
      %dma_start3A_465 = arith.constant 0 : i32
      %dma_start3A_466 = tpu.memref_slice %arg21[%add3A_12, %dma_start3A_465] : memref<10240x128xf32, #tpu.memory_space<vmem_shared>> -> memref<80x128xf32, #tpu.memory_space<vmem_shared>>
      tpu.enqueue_dma source(%arg13 : memref<80x128xf32, #tpu.memory_space<vmem>>) target(%dma_start3A_466 : memref<80x128xf32, #tpu.memory_space<vmem_shared>>) target_semaphore(%run_scoped3A : memref<!tpu.dma_semaphore, #tpu.memory_space<semaphore_mem>>)
      %dma_wait3A_467 = arith.constant 0 : i32
      %dma_wait3A_468 = tpu.memref_slice %arg21[%add3A_12, %dma_wait3A_467] : memref<10240x128xf32, #tpu.memory_space<vmem_shared>> -> memref<80x128xf32, #tpu.memory_space<vmem_shared>>
      %dma_wait3A_469 = arith.constant 0 : i32
      %dma_wait3A_470 = tpu.memref_slice %arg21[%add3A_12, %dma_wait3A_469] : memref<10240x128xf32, #tpu.memory_space<vmem_shared>> -> memref<80x128xf32, #tpu.memory_space<vmem_shared>>
      tpu.wait_dma2 semaphore(%run_scoped3A : memref<!tpu.dma_semaphore, #tpu.memory_space<semaphore_mem>>) src(%arg13 : memref<80x128xf32, #tpu.memory_space<vmem>>) dst(%dma_wait3A_470 : memref<80x128xf32, #tpu.memory_space<vmem_shared>>)
      tpu.yield
    }) : () -> ()
    %add3A_13 = arith.constant 160 : i32
    %add3A_14 = arith.addi %mul3A_8, %add3A_13 : i32
    "tpu.region"() ({
      %run_scoped3A = tpu.sem_alloc : memref<!tpu.dma_semaphore, #tpu.memory_space<semaphore_mem>>
      %dma_start3A_463 = arith.constant 0 : i32
      %dma_start3A_464 = tpu.memref_slice %arg21[%add3A_14, %dma_start3A_463] : memref<10240x128xf32, #tpu.memory_space<vmem_shared>> -> memref<80x128xf32, #tpu.memory_space<vmem_shared>>
      %dma_start3A_465 = arith.constant 0 : i32
      %dma_start3A_466 = tpu.memref_slice %arg21[%add3A_14, %dma_start3A_465] : memref<10240x128xf32, #tpu.memory_space<vmem_shared>> -> memref<80x128xf32, #tpu.memory_space<vmem_shared>>
      tpu.enqueue_dma source(%arg13 : memref<80x128xf32, #tpu.memory_space<vmem>>) target(%dma_start3A_466 : memref<80x128xf32, #tpu.memory_space<vmem_shared>>) target_semaphore(%run_scoped3A : memref<!tpu.dma_semaphore, #tpu.memory_space<semaphore_mem>>)
      %dma_wait3A_467 = arith.constant 0 : i32
      %dma_wait3A_468 = tpu.memref_slice %arg21[%add3A_14, %dma_wait3A_467] : memref<10240x128xf32, #tpu.memory_space<vmem_shared>> -> memref<80x128xf32, #tpu.memory_space<vmem_shared>>
      %dma_wait3A_469 = arith.constant 0 : i32
      %dma_wait3A_470 = tpu.memref_slice %arg21[%add3A_14, %dma_wait3A_469] : memref<10240x128xf32, #tpu.memory_space<vmem_shared>> -> memref<80x128xf32, #tpu.memory_space<vmem_shared>>
      tpu.wait_dma2 semaphore(%run_scoped3A : memref<!tpu.dma_semaphore, #tpu.memory_space<semaphore_mem>>) src(%arg13 : memref<80x128xf32, #tpu.memory_space<vmem>>) dst(%dma_wait3A_470 : memref<80x128xf32, #tpu.memory_space<vmem_shared>>)
      tpu.yield
    }) : () -> ()
    %add3A_15 = arith.constant 240 : i32
    %add3A_16 = arith.addi %mul3A_8, %add3A_15 : i32
    "tpu.region"() ({
      %run_scoped3A = tpu.sem_alloc : memref<!tpu.dma_semaphore, #tpu.memory_space<semaphore_mem>>
      %dma_start3A_463 = arith.constant 0 : i32
      %dma_start3A_464 = tpu.memref_slice %arg21[%add3A_16, %dma_start3A_463] : memref<10240x128xf32, #tpu.memory_space<vmem_shared>> -> memref<80x128xf32, #tpu.memory_space<vmem_shared>>
      %dma_start3A_465 = arith.constant 0 : i32
      %dma_start3A_466 = tpu.memref_slice %arg21[%add3A_16, %dma_start3A_465] : memref<10240x128xf32, #tpu.memory_space<vmem_shared>> -> memref<80x128xf32, #tpu.memory_space<vmem_shared>>
      tpu.enqueue_dma source(%arg13 : memref<80x128xf32, #tpu.memory_space<vmem>>) target(%dma_start3A_466 : memref<80x128xf32, #tpu.memory_space<vmem_shared>>) target_semaphore(%run_scoped3A : memref<!tpu.dma_semaphore, #tpu.memory_space<semaphore_mem>>)
      %dma_wait3A_467 = arith.constant 0 : i32
      %dma_wait3A_468 = tpu.memref_slice %arg21[%add3A_16, %dma_wait3A_467] : memref<10240x128xf32, #tpu.memory_space<vmem_shared>> -> memref<80x128xf32, #tpu.memory_space<vmem_shared>>
      %dma_wait3A_469 = arith.constant 0 : i32
      %dma_wait3A_470 = tpu.memref_slice %arg21[%add3A_16, %dma_wait3A_469] : memref<10240x128xf32, #tpu.memory_space<vmem_shared>> -> memref<80x128xf32, #tpu.memory_space<vmem_shared>>
      tpu.wait_dma2 semaphore(%run_scoped3A : memref<!tpu.dma_semaphore, #tpu.memory_space<semaphore_mem>>) src(%arg13 : memref<80x128xf32, #tpu.memory_space<vmem>>) dst(%dma_wait3A_470 : memref<80x128xf32, #tpu.memory_space<vmem_shared>>)
      tpu.yield
    }) : () -> ()
    %add3A_17 = arith.constant 320 : i32
    %add3A_18 = arith.addi %mul3A_8, %add3A_17 : i32
    "tpu.region"() ({
      %run_scoped3A = tpu.sem_alloc : memref<!tpu.dma_semaphore, #tpu.memory_space<semaphore_mem>>
      %dma_start3A_463 = arith.constant 0 : i32
      %dma_start3A_464 = tpu.memref_slice %arg21[%add3A_18, %dma_start3A_463] : memref<10240x128xf32, #tpu.memory_space<vmem_shared>> -> memref<80x128xf32, #tpu.memory_space<vmem_shared>>
      %dma_start3A_465 = arith.constant 0 : i32
      %dma_start3A_466 = tpu.memref_slice %arg21[%add3A_18, %dma_start3A_465] : memref<10240x128xf32, #tpu.memory_space<vmem_shared>> -> memref<80x128xf32, #tpu.memory_space<vmem_shared>>
      tpu.enqueue_dma source(%arg13 : memref<80x128xf32, #tpu.memory_space<vmem>>) target(%dma_start3A_466 : memref<80x128xf32, #tpu.memory_space<vmem_shared>>) target_semaphore(%run_scoped3A : memref<!tpu.dma_semaphore, #tpu.memory_space<semaphore_mem>>)
      %dma_wait3A_467 = arith.constant 0 : i32
      %dma_wait3A_468 = tpu.memref_slice %arg21[%add3A_18, %dma_wait3A_467] : memref<10240x128xf32, #tpu.memory_space<vmem_shared>> -> memref<80x128xf32, #tpu.memory_space<vmem_shared>>
      %dma_wait3A_469 = arith.constant 0 : i32
      %dma_wait3A_470 = tpu.memref_slice %arg21[%add3A_18, %dma_wait3A_469] : memref<10240x128xf32, #tpu.memory_space<vmem_shared>> -> memref<80x128xf32, #tpu.memory_space<vmem_shared>>
      tpu.wait_dma2 semaphore(%run_scoped3A : memref<!tpu.dma_semaphore, #tpu.memory_space<semaphore_mem>>) src(%arg13 : memref<80x128xf32, #tpu.memory_space<vmem>>) dst(%dma_wait3A_470 : memref<80x128xf32, #tpu.memory_space<vmem_shared>>)
      tpu.yield
    }) : () -> ()
    %add3A_19 = arith.constant 400 : i32
    %add3A_20 = arith.addi %mul3A_8, %add3A_19 : i32
    "tpu.region"() ({
      %run_scoped3A = tpu.sem_alloc : memref<!tpu.dma_semaphore, #tpu.memory_space<semaphore_mem>>
      %dma_start3A_463 = arith.constant 0 : i32
      %dma_start3A_464 = tpu.memref_slice %arg21[%add3A_20, %dma_start3A_463] : memref<10240x128xf32, #tpu.memory_space<vmem_shared>> -> memref<80x128xf32, #tpu.memory_space<vmem_shared>>
      %dma_start3A_465 = arith.constant 0 : i32
      %dma_start3A_466 = tpu.memref_slice %arg21[%add3A_20, %dma_start3A_465] : memref<10240x128xf32, #tpu.memory_space<vmem_shared>> -> memref<80x128xf32, #tpu.memory_space<vmem_shared>>
      tpu.enqueue_dma source(%arg13 : memref<80x128xf32, #tpu.memory_space<vmem>>) target(%dma_start3A_466 : memref<80x128xf32, #tpu.memory_space<vmem_shared>>) target_semaphore(%run_scoped3A : memref<!tpu.dma_semaphore, #tpu.memory_space<semaphore_mem>>)
      %dma_wait3A_467 = arith.constant 0 : i32
      %dma_wait3A_468 = tpu.memref_slice %arg21[%add3A_20, %dma_wait3A_467] : memref<10240x128xf32, #tpu.memory_space<vmem_shared>> -> memref<80x128xf32, #tpu.memory_space<vmem_shared>>
      %dma_wait3A_469 = arith.constant 0 : i32
      %dma_wait3A_470 = tpu.memref_slice %arg21[%add3A_20, %dma_wait3A_469] : memref<10240x128xf32, #tpu.memory_space<vmem_shared>> -> memref<80x128xf32, #tpu.memory_space<vmem_shared>>
      tpu.wait_dma2 semaphore(%run_scoped3A : memref<!tpu.dma_semaphore, #tpu.memory_space<semaphore_mem>>) src(%arg13 : memref<80x128xf32, #tpu.memory_space<vmem>>) dst(%dma_wait3A_470 : memref<80x128xf32, #tpu.memory_space<vmem_shared>>)
      tpu.yield
    }) : () -> ()
    %add3A_21 = arith.constant 480 : i32
    %add3A_22 = arith.addi %mul3A_8, %add3A_21 : i32
    "tpu.region"() ({
      %run_scoped3A = tpu.sem_alloc : memref<!tpu.dma_semaphore, #tpu.memory_space<semaphore_mem>>
      %dma_start3A_463 = arith.constant 0 : i32
      %dma_start3A_464 = tpu.memref_slice %arg21[%add3A_22, %dma_start3A_463] : memref<10240x128xf32, #tpu.memory_space<vmem_shared>> -> memref<80x128xf32, #tpu.memory_space<vmem_shared>>
      %dma_start3A_465 = arith.constant 0 : i32
      %dma_start3A_466 = tpu.memref_slice %arg21[%add3A_22, %dma_start3A_465] : memref<10240x128xf32, #tpu.memory_space<vmem_shared>> -> memref<80x128xf32, #tpu.memory_space<vmem_shared>>
      tpu.enqueue_dma source(%arg13 : memref<80x128xf32, #tpu.memory_space<vmem>>) target(%dma_start3A_466 : memref<80x128xf32, #tpu.memory_space<vmem_shared>>) target_semaphore(%run_scoped3A : memref<!tpu.dma_semaphore, #tpu.memory_space<semaphore_mem>>)
      %dma_wait3A_467 = arith.constant 0 : i32
      %dma_wait3A_468 = tpu.memref_slice %arg21[%add3A_22, %dma_wait3A_467] : memref<10240x128xf32, #tpu.memory_space<vmem_shared>> -> memref<80x128xf32, #tpu.memory_space<vmem_shared>>
      %dma_wait3A_469 = arith.constant 0 : i32
      %dma_wait3A_470 = tpu.memref_slice %arg21[%add3A_22, %dma_wait3A_469] : memref<10240x128xf32, #tpu.memory_space<vmem_shared>> -> memref<80x128xf32, #tpu.memory_space<vmem_shared>>
      tpu.wait_dma2 semaphore(%run_scoped3A : memref<!tpu.dma_semaphore, #tpu.memory_space<semaphore_mem>>) src(%arg13 : memref<80x128xf32, #tpu.memory_space<vmem>>) dst(%dma_wait3A_470 : memref<80x128xf32, #tpu.memory_space<vmem_shared>>)
      tpu.yield
    }) : () -> ()
    %add3A_23 = arith.constant 560 : i32
    %add3A_24 = arith.addi %mul3A_8, %add3A_23 : i32
    "tpu.region"() ({
      %run_scoped3A = tpu.sem_alloc : memref<!tpu.dma_semaphore, #tpu.memory_space<semaphore_mem>>
      %dma_start3A_463 = arith.constant 0 : i32
      %dma_start3A_464 = tpu.memref_slice %arg21[%add3A_24, %dma_start3A_463] : memref<10240x128xf32, #tpu.memory_space<vmem_shared>> -> memref<80x128xf32, #tpu.memory_space<vmem_shared>>
      %dma_start3A_465 = arith.constant 0 : i32
      %dma_start3A_466 = tpu.memref_slice %arg21[%add3A_24, %dma_start3A_465] : memref<10240x128xf32, #tpu.memory_space<vmem_shared>> -> memref<80x128xf32, #tpu.memory_space<vmem_shared>>
      tpu.enqueue_dma source(%arg13 : memref<80x128xf32, #tpu.memory_space<vmem>>) target(%dma_start3A_466 : memref<80x128xf32, #tpu.memory_space<vmem_shared>>) target_semaphore(%run_scoped3A : memref<!tpu.dma_semaphore, #tpu.memory_space<semaphore_mem>>)
      %dma_wait3A_467 = arith.constant 0 : i32
      %dma_wait3A_468 = tpu.memref_slice %arg21[%add3A_24, %dma_wait3A_467] : memref<10240x128xf32, #tpu.memory_space<vmem_shared>> -> memref<80x128xf32, #tpu.memory_space<vmem_shared>>
      %dma_wait3A_469 = arith.constant 0 : i32
      %dma_wait3A_470 = tpu.memref_slice %arg21[%add3A_24, %dma_wait3A_469] : memref<10240x128xf32, #tpu.memory_space<vmem_shared>> -> memref<80x128xf32, #tpu.memory_space<vmem_shared>>
      tpu.wait_dma2 semaphore(%run_scoped3A : memref<!tpu.dma_semaphore, #tpu.memory_space<semaphore_mem>>) src(%arg13 : memref<80x128xf32, #tpu.memory_space<vmem>>) dst(%dma_wait3A_470 : memref<80x128xf32, #tpu.memory_space<vmem_shared>>)
      tpu.yield
    }) : () -> ()
    %lt3A = arith.constant 10 : i32
    %lt3A_25 = arith.cmpi slt, %arg1, %lt3A : i32
    %convert_element_type3A = arith.extui %lt3A_25 : i1 to i32
    %cond3A = arith.constant 0 : i32
    %cond3A_26 = arith.cmpi ne, %convert_element_type3A, %cond3A : i32
    scf.if %cond3A_26 {
      %mul3A_463 = arith.constant 8 : i32
      %mul3A_464 = arith.muli %arg1, %mul3A_463 : i32
      "tpu.region"() ({
        %run_scoped3A = tpu.sem_alloc : memref<!tpu.dma_semaphore, #tpu.memory_space<semaphore_mem>>
        %dma_start3A_465 = arith.constant 0 : i32
        %dma_start3A_466 = arith.constant 0 : i32
        %dma_start3A_467 = tpu.memref_slice %arg13[%dma_start3A_465, %dma_start3A_466] : memref<80x128xf32, #tpu.memory_space<vmem>> -> memref<8x128xf32, #tpu.memory_space<vmem>>
        %dma_start3A_468 = arith.constant 0 : i32
        %dma_start3A_469 = tpu.memref_slice %arg22[%mul3A_464, %dma_start3A_468] : memref<80x128xf32, #tpu.memory_space<vmem_shared>> -> memref<8x128xf32, #tpu.memory_space<vmem_shared>>
        %dma_start3A_470 = arith.constant 0 : i32
        %dma_start3A_471 = tpu.memref_slice %arg22[%mul3A_464, %dma_start3A_470] : memref<80x128xf32, #tpu.memory_space<vmem_shared>> -> memref<8x128xf32, #tpu.memory_space<vmem_shared>>
        %dma_start3A_472 = arith.constant 0 : i32
        %dma_start3A_473 = arith.constant 0 : i32
        %dma_start3A_474 = tpu.memref_slice %arg13[%dma_start3A_472, %dma_start3A_473] : memref<80x128xf32, #tpu.memory_space<vmem>> -> memref<8x128xf32, #tpu.memory_space<vmem>>
        tpu.enqueue_dma source(%dma_start3A_474 : memref<8x128xf32, #tpu.memory_space<vmem>>) target(%dma_start3A_471 : memref<8x128xf32, #tpu.memory_space<vmem_shared>>) target_semaphore(%run_scoped3A : memref<!tpu.dma_semaphore, #tpu.memory_space<semaphore_mem>>)
        %dma_wait3A_475 = arith.constant 0 : i32
        %dma_wait3A_476 = arith.constant 0 : i32
        %dma_wait3A_477 = tpu.memref_slice %arg13[%dma_wait3A_475, %dma_wait3A_476] : memref<80x128xf32, #tpu.memory_space<vmem>> -> memref<8x128xf32, #tpu.memory_space<vmem>>
        %dma_wait3A_478 = arith.constant 0 : i32
        %dma_wait3A_479 = tpu.memref_slice %arg22[%mul3A_464, %dma_wait3A_478] : memref<80x128xf32, #tpu.memory_space<vmem_shared>> -> memref<8x128xf32, #tpu.memory_space<vmem_shared>>
        %dma_wait3A_480 = arith.constant 0 : i32
        %dma_wait3A_481 = tpu.memref_slice %arg22[%mul3A_464, %dma_wait3A_480] : memref<80x128xf32, #tpu.memory_space<vmem_shared>> -> memref<8x128xf32, #tpu.memory_space<vmem_shared>>
        %dma_wait3A_482 = arith.constant 0 : i32
        %dma_wait3A_483 = arith.constant 0 : i32
        %dma_wait3A_484 = tpu.memref_slice %arg13[%dma_wait3A_482, %dma_wait3A_483] : memref<80x128xf32, #tpu.memory_space<vmem>> -> memref<8x128xf32, #tpu.memory_space<vmem>>
        tpu.wait_dma2 semaphore(%run_scoped3A : memref<!tpu.dma_semaphore, #tpu.memory_space<semaphore_mem>>) src(%dma_wait3A_484 : memref<8x128xf32, #tpu.memory_space<vmem>>) dst(%dma_wait3A_481 : memref<8x128xf32, #tpu.memory_space<vmem_shared>>)
        tpu.yield
      }) : () -> ()
    } else {
    }
    %iota3A = tpu.iota {dimensions = array<i32: 0>} : vector<16xi32>
    %add3A_27 = arith.constant 0 : i32
    %add3A_28 = vector.broadcast %add3A_27 : i32 to vector<16xi32>
    %add3A_29 = arith.addi %iota3A, %add3A_28 : vector<16xi32>
    %swap3A = arith.constant 0 : index
    %swap3A_30 = tpu.vector_load %arg14[%swap3A] {strides = array<i32>} : memref<80xi32, #tpu.memory_space<vmem>>, vector<16xi32>,
    tpu.vector_store %arg14[%swap3A], %add3A_29 {strides = array<i32>} : memref<80xi32, #tpu.memory_space<vmem>>, vector<16xi32>,
    %iota3A_31 = tpu.iota {dimensions = array<i32: 0>} : vector<16xi32>
    %add3A_32 = arith.constant 16 : i32
    %add3A_33 = vector.broadcast %add3A_32 : i32 to vector<16xi32>
    %add3A_34 = arith.addi %iota3A_31, %add3A_33 : vector<16xi32>
    %swap3A_35 = arith.constant 16 : index
    %swap3A_36 = tpu.vector_load %arg14[%swap3A_35] {strides = array<i32>} : memref<80xi32, #tpu.memory_space<vmem>>, vector<16xi32>,
    tpu.vector_store %arg14[%swap3A_35], %add3A_34 {strides = array<i32>} : memref<80xi32, #tpu.memory_space<vmem>>, vector<16xi32>,
    %iota3A_37 = tpu.iota {dimensions = array<i32: 0>} : vector<16xi32>
    %add3A_38 = arith.constant 32 : i32
    %add3A_39 = vector.broadcast %add3A_38 : i32 to vector<16xi32>
    %add3A_40 = arith.addi %iota3A_37, %add3A_39 : vector<16xi32>
    %swap3A_41 = arith.constant 32 : index
    %swap3A_42 = tpu.vector_load %arg14[%swap3A_41] {strides = array<i32>} : memref<80xi32, #tpu.memory_space<vmem>>, vector<16xi32>,
    tpu.vector_store %arg14[%swap3A_41], %add3A_40 {strides = array<i32>} : memref<80xi32, #tpu.memory_space<vmem>>, vector<16xi32>,
    %iota3A_43 = tpu.iota {dimensions = array<i32: 0>} : vector<16xi32>
    %add3A_44 = arith.constant 48 : i32
    %add3A_45 = vector.broadcast %add3A_44 : i32 to vector<16xi32>
    %add3A_46 = arith.addi %iota3A_43, %add3A_45 : vector<16xi32>
    %swap3A_47 = arith.constant 48 : index
    %swap3A_48 = tpu.vector_load %arg14[%swap3A_47] {strides = array<i32>} : memref<80xi32, #tpu.memory_space<vmem>>, vector<16xi32>,
    tpu.vector_store %arg14[%swap3A_47], %add3A_46 {strides = array<i32>} : memref<80xi32, #tpu.memory_space<vmem>>, vector<16xi32>,
    %iota3A_49 = tpu.iota {dimensions = array<i32: 0>} : vector<16xi32>
    %add3A_50 = arith.constant 64 : i32
    %add3A_51 = vector.broadcast %add3A_50 : i32 to vector<16xi32>
    %add3A_52 = arith.addi %iota3A_49, %add3A_51 : vector<16xi32>
    %swap3A_53 = arith.constant 64 : index
    %swap3A_54 = tpu.vector_load %arg14[%swap3A_53] {strides = array<i32>} : memref<80xi32, #tpu.memory_space<vmem>>, vector<16xi32>,
    tpu.vector_store %arg14[%swap3A_53], %add3A_52 {strides = array<i32>} : memref<80xi32, #tpu.memory_space<vmem>>, vector<16xi32>,
    %barrier3A = arith.constant 0 : index
    tpu.barrier barrier_id(%barrier3A)
    %mul3A_55 = arith.constant 10000 : i32
    %mul3A_56 = arith.muli %add3A, %mul3A_55 : i32
    %broadcast_in_dim3A_57 = arith.constant 1.000000e+00 : f32
    %broadcast_in_dim3A_58 = vector.broadcast %broadcast_in_dim3A_57 : f32 to vector<16xf32>
    %add3A_59 = arith.constant 0 : i32
    %add3A_60 = arith.addi %mul3A_56, %add3A_59 : i32
    %dma_start3A = tpu.memref_slice %arg3[%add3A_60] : memref<320000xi32, #tpu.memory_space<hbm>> -> memref<2000xi32, #tpu.memory_space<hbm>>
    %dma_start3A_61 = tpu.memref_slice %arg3[%add3A_60] : memref<320000xi32, #tpu.memory_space<hbm>> -> memref<2000xi32, #tpu.memory_space<hbm>>
    tpu.enqueue_dma source(%dma_start3A_61 : memref<2000xi32, #tpu.memory_space<hbm>>) target(%arg7 : memref<2000xi32, #tpu.memory_space<vmem>>) target_semaphore(%arg17 : memref<!tpu.dma_semaphore, #tpu.memory_space<semaphore_mem>>)
    %dma_start3A_62 = tpu.memref_slice %arg4[%add3A_60] : memref<320000xi32, #tpu.memory_space<hbm>> -> memref<2000xi32, #tpu.memory_space<hbm>>
    %dma_start3A_63 = tpu.memref_slice %arg4[%add3A_60] : memref<320000xi32, #tpu.memory_space<hbm>> -> memref<2000xi32, #tpu.memory_space<hbm>>
    tpu.enqueue_dma source(%dma_start3A_63 : memref<2000xi32, #tpu.memory_space<hbm>>) target(%arg8 : memref<2000xi32, #tpu.memory_space<vmem>>) target_semaphore(%arg18 : memref<!tpu.dma_semaphore, #tpu.memory_space<semaphore_mem>>)
    %dma_wait3A = arith.constant 0 : i32
    %dma_wait3A_64 = tpu.memref_slice %arg3[%dma_wait3A] : memref<320000xi32, #tpu.memory_space<hbm>> -> memref<2000xi32, #tpu.memory_space<hbm>>
    %dma_wait3A_65 = arith.constant 0 : i32
    %dma_wait3A_66 = tpu.memref_slice %arg3[%dma_wait3A_65] : memref<320000xi32, #tpu.memory_space<hbm>> -> memref<2000xi32, #tpu.memory_space<hbm>>
    tpu.wait_dma2 semaphore(%arg17 : memref<!tpu.dma_semaphore, #tpu.memory_space<semaphore_mem>>) src(%dma_wait3A_66 : memref<2000xi32, #tpu.memory_space<hbm>>) dst(%arg7 : memref<2000xi32, #tpu.memory_space<vmem>>)
    %dma_wait3A_67 = arith.constant 0 : i32
    %dma_wait3A_68 = tpu.memref_slice %arg4[%dma_wait3A_67] : memref<320000xi32, #tpu.memory_space<hbm>> -> memref<2000xi32, #tpu.memory_space<hbm>>
    %dma_wait3A_69 = arith.constant 0 : i32
    %dma_wait3A_70 = tpu.memref_slice %arg4[%dma_wait3A_69] : memref<320000xi32, #tpu.memory_space<hbm>> -> memref<2000xi32, #tpu.memory_space<hbm>>
    tpu.wait_dma2 semaphore(%arg18 : memref<!tpu.dma_semaphore, #tpu.memory_space<semaphore_mem>>) src(%dma_wait3A_70 : memref<2000xi32, #tpu.memory_space<hbm>>) dst(%arg8 : memref<2000xi32, #tpu.memory_space<vmem>>)
    %add3A_71 = arith.constant 2000 : i32
    %add3A_72 = arith.addi %mul3A_56, %add3A_71 : i32
    %dma_start3A_73 = tpu.memref_slice %arg3[%add3A_72] : memref<320000xi32, #tpu.memory_space<hbm>> -> memref<2000xi32, #tpu.memory_space<hbm>>
    %dma_start3A_74 = tpu.memref_slice %arg3[%add3A_72] : memref<320000xi32, #tpu.memory_space<hbm>> -> memref<2000xi32, #tpu.memory_space<hbm>>
    tpu.enqueue_dma source(%dma_start3A_74 : memref<2000xi32, #tpu.memory_space<hbm>>) target(%arg9 : memref<2000xi32, #tpu.memory_space<vmem>>) target_semaphore(%arg19 : memref<!tpu.dma_semaphore, #tpu.memory_space<semaphore_mem>>)
    %dma_start3A_75 = tpu.memref_slice %arg4[%add3A_72] : memref<320000xi32, #tpu.memory_space<hbm>> -> memref<2000xi32, #tpu.memory_space<hbm>>
    %dma_start3A_76 = tpu.memref_slice %arg4[%add3A_72] : memref<320000xi32, #tpu.memory_space<hbm>> -> memref<2000xi32, #tpu.memory_space<hbm>>
    tpu.enqueue_dma source(%dma_start3A_76 : memref<2000xi32, #tpu.memory_space<hbm>>) target(%arg10 : memref<2000xi32, #tpu.memory_space<vmem>>) target_semaphore(%arg20 : memref<!tpu.dma_semaphore, #tpu.memory_space<semaphore_mem>>)
    %dma_start3A_77 = arith.constant 0 : i32
    %dma_start3A_78 = tpu.memref_slice %arg7[%dma_start3A_77] : memref<2000xi32, #tpu.memory_space<vmem>> -> memref<80xi32, #tpu.memory_space<vmem>>
    %dma_start3A_79 = arith.constant 0 : i32
    %dma_start3A_80 = arith.constant 0 : i32
    %dma_start3A_81 = tpu.memref_slice %arg2[%dma_start3A_79, %dma_start3A_80] : memref<10000x128xf32, #tpu.memory_space<hbm>> -> memref<10000x128xf32, #tpu.memory_space<hbm>>
    tpu.enqueue_indirect_dma source(%dma_start3A_81 : memref<10000x128xf32, #tpu.memory_space<hbm>>) target(%arg11 : memref<80x128xf32, #tpu.memory_space<vmem>>) offsets(%dma_start3A_78 : memref<80xi32, #tpu.memory_space<vmem>>) semaphore(%arg15 : memref<!tpu.dma_semaphore, #tpu.memory_space<semaphore_mem>>)
    %scan3A_82 = arith.constant 0 : i32
    %scan3A_83 = arith.constant 0 : i32
    %scan3A_84 = arith.constant 12 : i32
    %scan3A_85 = arith.addi %scan3A_83, %scan3A_84 : i32
    %scan3A_86 = arith.constant 1 : i32
    scf.for %scan3A_463 = %scan3A_83 to %scan3A_85 step %scan3A_86  : i32 {
      %mul3A_464 = arith.constant 2 : i32
      %mul3A_465 = arith.muli %mul3A_464, %scan3A_463 : i32
      %add3A_466 = arith.constant 1 : i32
      %add3A_467 = arith.addi %mul3A_465, %add3A_466 : i32
      %mul3A_468 = arith.constant 80 : i32
      %mul3A_469 = arith.muli %add3A_467, %mul3A_468 : i32
      %dma_start3A_470 = tpu.memref_slice %arg7[%mul3A_469] : memref<2000xi32, #tpu.memory_space<vmem>> -> memref<80xi32, #tpu.memory_space<vmem>>
      %dma_start3A_471 = arith.constant 0 : i32
      %dma_start3A_472 = arith.constant 0 : i32
      %dma_start3A_473 = tpu.memref_slice %arg2[%dma_start3A_471, %dma_start3A_472] : memref<10000x128xf32, #tpu.memory_space<hbm>> -> memref<10000x128xf32, #tpu.memory_space<hbm>>
      tpu.enqueue_indirect_dma source(%dma_start3A_473 : memref<10000x128xf32, #tpu.memory_space<hbm>>) target(%arg12 : memref<80x128xf32, #tpu.memory_space<vmem>>) offsets(%dma_start3A_470 : memref<80xi32, #tpu.memory_space<vmem>>) semaphore(%arg16 : memref<!tpu.dma_semaphore, #tpu.memory_space<semaphore_mem>>)
      %mul3A_474 = arith.constant 80 : i32
      %mul3A_475 = arith.muli %mul3A_465, %mul3A_474 : i32
      %dma_wait3A_476 = tpu.memref_slice %arg7[%mul3A_475] : memref<2000xi32, #tpu.memory_space<vmem>> -> memref<80xi32, #tpu.memory_space<vmem>>
      %dma_wait3A_477 = arith.constant 0 : i32
      %dma_wait3A_478 = arith.constant 0 : i32
      %dma_wait3A_479 = tpu.memref_slice %arg2[%dma_wait3A_477, %dma_wait3A_478] : memref<10000x128xf32, #tpu.memory_space<hbm>> -> memref<10000x128xf32, #tpu.memory_space<hbm>>
      tpu.wait_indirect_dma semaphore(%arg15 : memref<!tpu.dma_semaphore, #tpu.memory_space<semaphore_mem>>) src(%dma_wait3A_479 : memref<10000x128xf32, #tpu.memory_space<hbm>>) dst(%arg11 : memref<80x128xf32, #tpu.memory_space<vmem>>)
      %mul3A_480 = arith.constant 80 : i32
      %mul3A_481 = arith.muli %mul3A_465, %mul3A_480 : i32
      %get3A_482 = tpu.memref_slice %arg8[%mul3A_481] : memref<2000xi32, #tpu.memory_space<vmem>> -> memref<80xi32, #tpu.memory_space<vmem>>
      %get3A_483 = arith.constant 0 : index
      %get3A_484 = tpu.vector_load %get3A_482[%get3A_483] {strides = array<i32>} : memref<80xi32, #tpu.memory_space<vmem>>, vector<16xi32>,
      %shift_right_logical3A_485 = arith.constant 7 : i32
      %shift_right_logical3A_486 = vector.broadcast %shift_right_logical3A_485 : i32 to vector<16xi32>
      %shift_right_logical3A_487 = arith.shrui %get3A_484, %shift_right_logical3A_486 : vector<16xi32>
      %and3A_488 = arith.constant 127 : i32
      %and3A_489 = vector.broadcast %and3A_488 : i32 to vector<16xi32>
      %and3A_490 = arith.andi %get3A_484, %and3A_489 : vector<16xi32>
      tpu.vector_store_idx %arg13[%shift_right_logical3A_487, %and3A_490], %broadcast_in_dim3A_58 {add = true} : memref<80x128xf32, #tpu.memory_space<vmem>>[vector<16xi32>, vector<16xi32>], vector<16xf32>,
      %get3A_491 = tpu.memref_slice %arg8[%mul3A_481] : memref<2000xi32, #tpu.memory_space<vmem>> -> memref<80xi32, #tpu.memory_space<vmem>>
      %get3A_492 = arith.constant 16 : index
      %get3A_493 = tpu.vector_load %get3A_491[%get3A_492] {strides = array<i32>} : memref<80xi32, #tpu.memory_space<vmem>>, vector<16xi32>,
      %shift_right_logical3A_494 = arith.constant 7 : i32
      %shift_right_logical3A_495 = vector.broadcast %shift_right_logical3A_494 : i32 to vector<16xi32>
      %shift_right_logical3A_496 = arith.shrui %get3A_493, %shift_right_logical3A_495 : vector<16xi32>
      %and3A_497 = arith.constant 127 : i32
      %and3A_498 = vector.broadcast %and3A_497 : i32 to vector<16xi32>
      %and3A_499 = arith.andi %get3A_493, %and3A_498 : vector<16xi32>
      tpu.vector_store_idx %arg13[%shift_right_logical3A_496, %and3A_499], %broadcast_in_dim3A_58 {add = true} : memref<80x128xf32, #tpu.memory_space<vmem>>[vector<16xi32>, vector<16xi32>], vector<16xf32>,
      %get3A_500 = tpu.memref_slice %arg8[%mul3A_481] : memref<2000xi32, #tpu.memory_space<vmem>> -> memref<80xi32, #tpu.memory_space<vmem>>
      %get3A_501 = arith.constant 32 : index
      %get3A_502 = tpu.vector_load %get3A_500[%get3A_501] {strides = array<i32>} : memref<80xi32, #tpu.memory_space<vmem>>, vector<16xi32>,
      %shift_right_logical3A_503 = arith.constant 7 : i32
      %shift_right_logical3A_504 = vector.broadcast %shift_right_logical3A_503 : i32 to vector<16xi32>
      %shift_right_logical3A_505 = arith.shrui %get3A_502, %shift_right_logical3A_504 : vector<16xi32>
      %and3A_506 = arith.constant 127 : i32
      %and3A_507 = vector.broadcast %and3A_506 : i32 to vector<16xi32>
      %and3A_508 = arith.andi %get3A_502, %and3A_507 : vector<16xi32>
      tpu.vector_store_idx %arg13[%shift_right_logical3A_505, %and3A_508], %broadcast_in_dim3A_58 {add = true} : memref<80x128xf32, #tpu.memory_space<vmem>>[vector<16xi32>, vector<16xi32>], vector<16xf32>,
      %get3A_509 = tpu.memref_slice %arg8[%mul3A_481] : memref<2000xi32, #tpu.memory_space<vmem>> -> memref<80xi32, #tpu.memory_space<vmem>>
      %get3A_510 = arith.constant 48 : index
      %get3A_511 = tpu.vector_load %get3A_509[%get3A_510] {strides = array<i32>} : memref<80xi32, #tpu.memory_space<vmem>>, vector<16xi32>,
      %shift_right_logical3A_512 = arith.constant 7 : i32
      %shift_right_logical3A_513 = vector.broadcast %shift_right_logical3A_512 : i32 to vector<16xi32>
      %shift_right_logical3A_514 = arith.shrui %get3A_511, %shift_right_logical3A_513 : vector<16xi32>
      %and3A_515 = arith.constant 127 : i32
      %and3A_516 = vector.broadcast %and3A_515 : i32 to vector<16xi32>
      %and3A_517 = arith.andi %get3A_511, %and3A_516 : vector<16xi32>
      tpu.vector_store_idx %arg13[%shift_right_logical3A_514, %and3A_517], %broadcast_in_dim3A_58 {add = true} : memref<80x128xf32, #tpu.memory_space<vmem>>[vector<16xi32>, vector<16xi32>], vector<16xf32>,
      %get3A_518 = tpu.memref_slice %arg8[%mul3A_481] : memref<2000xi32, #tpu.memory_space<vmem>> -> memref<80xi32, #tpu.memory_space<vmem>>
      %get3A_519 = arith.constant 64 : index
      %get3A_520 = tpu.vector_load %get3A_518[%get3A_519] {strides = array<i32>} : memref<80xi32, #tpu.memory_space<vmem>>, vector<16xi32>,
      %shift_right_logical3A_521 = arith.constant 7 : i32
      %shift_right_logical3A_522 = vector.broadcast %shift_right_logical3A_521 : i32 to vector<16xi32>
      %shift_right_logical3A_523 = arith.shrui %get3A_520, %shift_right_logical3A_522 : vector<16xi32>
      %and3A_524 = arith.constant 127 : i32
      %and3A_525 = vector.broadcast %and3A_524 : i32 to vector<16xi32>
      %and3A_526 = arith.andi %get3A_520, %and3A_525 : vector<16xi32>
      tpu.vector_store_idx %arg13[%shift_right_logical3A_523, %and3A_526], %broadcast_in_dim3A_58 {add = true} : memref<80x128xf32, #tpu.memory_space<vmem>>[vector<16xi32>, vector<16xi32>], vector<16xf32>,
      %add3A_527 = arith.constant 2 : i32
      %add3A_528 = arith.addi %mul3A_465, %add3A_527 : i32
      %mul3A_529 = arith.constant 80 : i32
      %mul3A_530 = arith.muli %add3A_528, %mul3A_529 : i32
      %dma_start3A_531 = tpu.memref_slice %arg7[%mul3A_530] : memref<2000xi32, #tpu.memory_space<vmem>> -> memref<80xi32, #tpu.memory_space<vmem>>
      %dma_start3A_532 = arith.constant 0 : i32
      %dma_start3A_533 = arith.constant 0 : i32
      %dma_start3A_534 = tpu.memref_slice %arg2[%dma_start3A_532, %dma_start3A_533] : memref<10000x128xf32, #tpu.memory_space<hbm>> -> memref<10000x128xf32, #tpu.memory_space<hbm>>
      tpu.enqueue_indirect_dma source(%dma_start3A_534 : memref<10000x128xf32, #tpu.memory_space<hbm>>) target(%arg11 : memref<80x128xf32, #tpu.memory_space<vmem>>) offsets(%dma_start3A_531 : memref<80xi32, #tpu.memory_space<vmem>>) semaphore(%arg15 : memref<!tpu.dma_semaphore, #tpu.memory_space<semaphore_mem>>)
      %dma_wait3A_535 = tpu.memref_slice %arg7[%mul3A_469] : memref<2000xi32, #tpu.memory_space<vmem>> -> memref<80xi32, #tpu.memory_space<vmem>>
      %dma_wait3A_536 = arith.constant 0 : i32
      %dma_wait3A_537 = arith.constant 0 : i32
      %dma_wait3A_538 = tpu.memref_slice %arg2[%dma_wait3A_536, %dma_wait3A_537] : memref<10000x128xf32, #tpu.memory_space<hbm>> -> memref<10000x128xf32, #tpu.memory_space<hbm>>
      tpu.wait_indirect_dma semaphore(%arg16 : memref<!tpu.dma_semaphore, #tpu.memory_space<semaphore_mem>>) src(%dma_wait3A_538 : memref<10000x128xf32, #tpu.memory_space<hbm>>) dst(%arg12 : memref<80x128xf32, #tpu.memory_space<vmem>>)
      %add3A_539 = arith.constant 1 : i32
      %add3A_540 = arith.addi %mul3A_465, %add3A_539 : i32
      %mul3A_541 = arith.constant 80 : i32
      %mul3A_542 = arith.muli %add3A_540, %mul3A_541 : i32
      %get3A_543 = tpu.memref_slice %arg8[%mul3A_542] : memref<2000xi32, #tpu.memory_space<vmem>> -> memref<80xi32, #tpu.memory_space<vmem>>
      %get3A_544 = arith.constant 0 : index
      %get3A_545 = tpu.vector_load %get3A_543[%get3A_544] {strides = array<i32>} : memref<80xi32, #tpu.memory_space<vmem>>, vector<16xi32>,
      %shift_right_logical3A_546 = arith.constant 7 : i32
      %shift_right_logical3A_547 = vector.broadcast %shift_right_logical3A_546 : i32 to vector<16xi32>
      %shift_right_logical3A_548 = arith.shrui %get3A_545, %shift_right_logical3A_547 : vector<16xi32>
      %and3A_549 = arith.constant 127 : i32
      %and3A_550 = vector.broadcast %and3A_549 : i32 to vector<16xi32>
      %and3A_551 = arith.andi %get3A_545, %and3A_550 : vector<16xi32>
      tpu.vector_store_idx %arg13[%shift_right_logical3A_548, %and3A_551], %broadcast_in_dim3A_58 {add = true} : memref<80x128xf32, #tpu.memory_space<vmem>>[vector<16xi32>, vector<16xi32>], vector<16xf32>,
      %get3A_552 = tpu.memref_slice %arg8[%mul3A_542] : memref<2000xi32, #tpu.memory_space<vmem>> -> memref<80xi32, #tpu.memory_space<vmem>>
      %get3A_553 = arith.constant 16 : index
      %get3A_554 = tpu.vector_load %get3A_552[%get3A_553] {strides = array<i32>} : memref<80xi32, #tpu.memory_space<vmem>>, vector<16xi32>,
      %shift_right_logical3A_555 = arith.constant 7 : i32
      %shift_right_logical3A_556 = vector.broadcast %shift_right_logical3A_555 : i32 to vector<16xi32>
      %shift_right_logical3A_557 = arith.shrui %get3A_554, %shift_right_logical3A_556 : vector<16xi32>
      %and3A_558 = arith.constant 127 : i32
      %and3A_559 = vector.broadcast %and3A_558 : i32 to vector<16xi32>
      %and3A_560 = arith.andi %get3A_554, %and3A_559 : vector<16xi32>
      tpu.vector_store_idx %arg13[%shift_right_logical3A_557, %and3A_560], %broadcast_in_dim3A_58 {add = true} : memref<80x128xf32, #tpu.memory_space<vmem>>[vector<16xi32>, vector<16xi32>], vector<16xf32>,
      %get3A_561 = tpu.memref_slice %arg8[%mul3A_542] : memref<2000xi32, #tpu.memory_space<vmem>> -> memref<80xi32, #tpu.memory_space<vmem>>
      %get3A_562 = arith.constant 32 : index
      %get3A_563 = tpu.vector_load %get3A_561[%get3A_562] {strides = array<i32>} : memref<80xi32, #tpu.memory_space<vmem>>, vector<16xi32>,
      %shift_right_logical3A_564 = arith.constant 7 : i32
      %shift_right_logical3A_565 = vector.broadcast %shift_right_logical3A_564 : i32 to vector<16xi32>
      %shift_right_logical3A_566 = arith.shrui %get3A_563, %shift_right_logical3A_565 : vector<16xi32>
      %and3A_567 = arith.constant 127 : i32
      %and3A_568 = vector.broadcast %and3A_567 : i32 to vector<16xi32>
      %and3A_569 = arith.andi %get3A_563, %and3A_568 : vector<16xi32>
      tpu.vector_store_idx %arg13[%shift_right_logical3A_566, %and3A_569], %broadcast_in_dim3A_58 {add = true} : memref<80x128xf32, #tpu.memory_space<vmem>>[vector<16xi32>, vector<16xi32>], vector<16xf32>,
      %get3A_570 = tpu.memref_slice %arg8[%mul3A_542] : memref<2000xi32, #tpu.memory_space<vmem>> -> memref<80xi32, #tpu.memory_space<vmem>>
      %get3A_571 = arith.constant 48 : index
      %get3A_572 = tpu.vector_load %get3A_570[%get3A_571] {strides = array<i32>} : memref<80xi32, #tpu.memory_space<vmem>>, vector<16xi32>,
      %shift_right_logical3A_573 = arith.constant 7 : i32
      %shift_right_logical3A_574 = vector.broadcast %shift_right_logical3A_573 : i32 to vector<16xi32>
      %shift_right_logical3A_575 = arith.shrui %get3A_572, %shift_right_logical3A_574 : vector<16xi32>
      %and3A_576 = arith.constant 127 : i32
      %and3A_577 = vector.broadcast %and3A_576 : i32 to vector<16xi32>
      %and3A_578 = arith.andi %get3A_572, %and3A_577 : vector<16xi32>
      tpu.vector_store_idx %arg13[%shift_right_logical3A_575, %and3A_578], %broadcast_in_dim3A_58 {add = true} : memref<80x128xf32, #tpu.memory_space<vmem>>[vector<16xi32>, vector<16xi32>], vector<16xf32>,
      %get3A_579 = tpu.memref_slice %arg8[%mul3A_542] : memref<2000xi32, #tpu.memory_space<vmem>> -> memref<80xi32, #tpu.memory_space<vmem>>
      %get3A_580 = arith.constant 64 : index
      %get3A_581 = tpu.vector_load %get3A_579[%get3A_580] {strides = array<i32>} : memref<80xi32, #tpu.memory_space<vmem>>, vector<16xi32>,
      %shift_right_logical3A_582 = arith.constant 7 : i32
      %shift_right_logical3A_583 = vector.broadcast %shift_right_logical3A_582 : i32 to vector<16xi32>
      %shift_right_logical3A_584 = arith.shrui %get3A_581, %shift_right_logical3A_583 : vector<16xi32>
      %and3A_585 = arith.constant 127 : i32
      %and3A_586 = vector.broadcast %and3A_585 : i32 to vector<16xi32>
      %and3A_587 = arith.andi %get3A_581, %and3A_586 : vector<16xi32>
      tpu.vector_store_idx %arg13[%shift_right_logical3A_584, %and3A_587], %broadcast_in_dim3A_58 {add = true} : memref<80x128xf32, #tpu.memory_space<vmem>>[vector<16xi32>, vector<16xi32>], vector<16xf32>,
    }
    %scan3A_87 = arith.constant 12 : i32
    %dma_wait3A_88 = arith.constant 1920 : i32
    %dma_wait3A_89 = tpu.memref_slice %arg7[%dma_wait3A_88] : memref<2000xi32, #tpu.memory_space<vmem>> -> memref<80xi32, #tpu.memory_space<vmem>>
    %dma_wait3A_90 = arith.constant 0 : i32
    %dma_wait3A_91 = arith.constant 0 : i32
    %dma_wait3A_92 = tpu.memref_slice %arg2[%dma_wait3A_90, %dma_wait3A_91] : memref<10000x128xf32, #tpu.memory_space<hbm>> -> memref<10000x128xf32, #tpu.memory_space<hbm>>
    tpu.wait_indirect_dma semaphore(%arg15 : memref<!tpu.dma_semaphore, #tpu.memory_space<semaphore_mem>>) src(%dma_wait3A_92 : memref<10000x128xf32, #tpu.memory_space<hbm>>) dst(%arg11 : memref<80x128xf32, #tpu.memory_space<vmem>>)
    %get3A = arith.constant 1920 : i32
    %get3A_93 = tpu.memref_slice %arg8[%get3A] : memref<2000xi32, #tpu.memory_space<vmem>> -> memref<80xi32, #tpu.memory_space<vmem>>
    %get3A_94 = arith.constant 0 : index
    %get3A_95 = tpu.vector_load %get3A_93[%get3A_94] {strides = array<i32>} : memref<80xi32, #tpu.memory_space<vmem>>, vector<16xi32>,
    %shift_right_logical3A = arith.constant 7 : i32
    %shift_right_logical3A_96 = vector.broadcast %shift_right_logical3A : i32 to vector<16xi32>
    %shift_right_logical3A_97 = arith.shrui %get3A_95, %shift_right_logical3A_96 : vector<16xi32>
    %and3A = arith.constant 127 : i32
    %and3A_98 = vector.broadcast %and3A : i32 to vector<16xi32>
    %and3A_99 = arith.andi %get3A_95, %and3A_98 : vector<16xi32>
    tpu.vector_store_idx %arg13[%shift_right_logical3A_97, %and3A_99], %broadcast_in_dim3A_58 {add = true} : memref<80x128xf32, #tpu.memory_space<vmem>>[vector<16xi32>, vector<16xi32>], vector<16xf32>,
    %get3A_100 = arith.constant 1920 : i32
    %get3A_101 = tpu.memref_slice %arg8[%get3A_100] : memref<2000xi32, #tpu.memory_space<vmem>> -> memref<80xi32, #tpu.memory_space<vmem>>
    %get3A_102 = arith.constant 16 : index
    %get3A_103 = tpu.vector_load %get3A_101[%get3A_102] {strides = array<i32>} : memref<80xi32, #tpu.memory_space<vmem>>, vector<16xi32>,
    %shift_right_logical3A_104 = arith.constant 7 : i32
    %shift_right_logical3A_105 = vector.broadcast %shift_right_logical3A_104 : i32 to vector<16xi32>
    %shift_right_logical3A_106 = arith.shrui %get3A_103, %shift_right_logical3A_105 : vector<16xi32>
    %and3A_107 = arith.constant 127 : i32
    %and3A_108 = vector.broadcast %and3A_107 : i32 to vector<16xi32>
    %and3A_109 = arith.andi %get3A_103, %and3A_108 : vector<16xi32>
    tpu.vector_store_idx %arg13[%shift_right_logical3A_106, %and3A_109], %broadcast_in_dim3A_58 {add = true} : memref<80x128xf32, #tpu.memory_space<vmem>>[vector<16xi32>, vector<16xi32>], vector<16xf32>,
    %get3A_110 = arith.constant 1920 : i32
    %get3A_111 = tpu.memref_slice %arg8[%get3A_110] : memref<2000xi32, #tpu.memory_space<vmem>> -> memref<80xi32, #tpu.memory_space<vmem>>
    %get3A_112 = arith.constant 32 : index
    %get3A_113 = tpu.vector_load %get3A_111[%get3A_112] {strides = array<i32>} : memref<80xi32, #tpu.memory_space<vmem>>, vector<16xi32>,
    %shift_right_logical3A_114 = arith.constant 7 : i32
    %shift_right_logical3A_115 = vector.broadcast %shift_right_logical3A_114 : i32 to vector<16xi32>
    %shift_right_logical3A_116 = arith.shrui %get3A_113, %shift_right_logical3A_115 : vector<16xi32>
    %and3A_117 = arith.constant 127 : i32
    %and3A_118 = vector.broadcast %and3A_117 : i32 to vector<16xi32>
    %and3A_119 = arith.andi %get3A_113, %and3A_118 : vector<16xi32>
    tpu.vector_store_idx %arg13[%shift_right_logical3A_116, %and3A_119], %broadcast_in_dim3A_58 {add = true} : memref<80x128xf32, #tpu.memory_space<vmem>>[vector<16xi32>, vector<16xi32>], vector<16xf32>,
    %get3A_120 = arith.constant 1920 : i32
    %get3A_121 = tpu.memref_slice %arg8[%get3A_120] : memref<2000xi32, #tpu.memory_space<vmem>> -> memref<80xi32, #tpu.memory_space<vmem>>
    %get3A_122 = arith.constant 48 : index
    %get3A_123 = tpu.vector_load %get3A_121[%get3A_122] {strides = array<i32>} : memref<80xi32, #tpu.memory_space<vmem>>, vector<16xi32>,
    %shift_right_logical3A_124 = arith.constant 7 : i32
    %shift_right_logical3A_125 = vector.broadcast %shift_right_logical3A_124 : i32 to vector<16xi32>
    %shift_right_logical3A_126 = arith.shrui %get3A_123, %shift_right_logical3A_125 : vector<16xi32>
    %and3A_127 = arith.constant 127 : i32
    %and3A_128 = vector.broadcast %and3A_127 : i32 to vector<16xi32>
    %and3A_129 = arith.andi %get3A_123, %and3A_128 : vector<16xi32>
    tpu.vector_store_idx %arg13[%shift_right_logical3A_126, %and3A_129], %broadcast_in_dim3A_58 {add = true} : memref<80x128xf32, #tpu.memory_space<vmem>>[vector<16xi32>, vector<16xi32>], vector<16xf32>,
    %get3A_130 = arith.constant 1920 : i32
    %get3A_131 = tpu.memref_slice %arg8[%get3A_130] : memref<2000xi32, #tpu.memory_space<vmem>> -> memref<80xi32, #tpu.memory_space<vmem>>
    %get3A_132 = arith.constant 64 : index
    %get3A_133 = tpu.vector_load %get3A_131[%get3A_132] {strides = array<i32>} : memref<80xi32, #tpu.memory_space<vmem>>, vector<16xi32>,
    %shift_right_logical3A_134 = arith.constant 7 : i32
    %shift_right_logical3A_135 = vector.broadcast %shift_right_logical3A_134 : i32 to vector<16xi32>
    %shift_right_logical3A_136 = arith.shrui %get3A_133, %shift_right_logical3A_135 : vector<16xi32>
    %and3A_137 = arith.constant 127 : i32
    %and3A_138 = vector.broadcast %and3A_137 : i32 to vector<16xi32>
    %and3A_139 = arith.andi %get3A_133, %and3A_138 : vector<16xi32>
    tpu.vector_store_idx %arg13[%shift_right_logical3A_136, %and3A_139], %broadcast_in_dim3A_58 {add = true} : memref<80x128xf32, #tpu.memory_space<vmem>>[vector<16xi32>, vector<16xi32>], vector<16xf32>,
    %dma_wait3A_140 = arith.constant 0 : i32
    %dma_wait3A_141 = tpu.memref_slice %arg3[%dma_wait3A_140] : memref<320000xi32, #tpu.memory_space<hbm>> -> memref<2000xi32, #tpu.memory_space<hbm>>
    %dma_wait3A_142 = arith.constant 0 : i32
    %dma_wait3A_143 = tpu.memref_slice %arg3[%dma_wait3A_142] : memref<320000xi32, #tpu.memory_space<hbm>> -> memref<2000xi32, #tpu.memory_space<hbm>>
    tpu.wait_dma2 semaphore(%arg19 : memref<!tpu.dma_semaphore, #tpu.memory_space<semaphore_mem>>) src(%dma_wait3A_143 : memref<2000xi32, #tpu.memory_space<hbm>>) dst(%arg9 : memref<2000xi32, #tpu.memory_space<vmem>>)
    %dma_wait3A_144 = arith.constant 0 : i32
    %dma_wait3A_145 = tpu.memref_slice %arg4[%dma_wait3A_144] : memref<320000xi32, #tpu.memory_space<hbm>> -> memref<2000xi32, #tpu.memory_space<hbm>>
    %dma_wait3A_146 = arith.constant 0 : i32
    %dma_wait3A_147 = tpu.memref_slice %arg4[%dma_wait3A_146] : memref<320000xi32, #tpu.memory_space<hbm>> -> memref<2000xi32, #tpu.memory_space<hbm>>
    tpu.wait_dma2 semaphore(%arg20 : memref<!tpu.dma_semaphore, #tpu.memory_space<semaphore_mem>>) src(%dma_wait3A_147 : memref<2000xi32, #tpu.memory_space<hbm>>) dst(%arg10 : memref<2000xi32, #tpu.memory_space<vmem>>)
    %add3A_148 = arith.constant 4000 : i32
    %add3A_149 = arith.addi %mul3A_56, %add3A_148 : i32
    %dma_start3A_150 = tpu.memref_slice %arg3[%add3A_149] : memref<320000xi32, #tpu.memory_space<hbm>> -> memref<2000xi32, #tpu.memory_space<hbm>>
    %dma_start3A_151 = tpu.memref_slice %arg3[%add3A_149] : memref<320000xi32, #tpu.memory_space<hbm>> -> memref<2000xi32, #tpu.memory_space<hbm>>
    tpu.enqueue_dma source(%dma_start3A_151 : memref<2000xi32, #tpu.memory_space<hbm>>) target(%arg7 : memref<2000xi32, #tpu.memory_space<vmem>>) target_semaphore(%arg17 : memref<!tpu.dma_semaphore, #tpu.memory_space<semaphore_mem>>)
    %dma_start3A_152 = tpu.memref_slice %arg4[%add3A_149] : memref<320000xi32, #tpu.memory_space<hbm>> -> memref<2000xi32, #tpu.memory_space<hbm>>
    %dma_start3A_153 = tpu.memref_slice %arg4[%add3A_149] : memref<320000xi32, #tpu.memory_space<hbm>> -> memref<2000xi32, #tpu.memory_space<hbm>>
    tpu.enqueue_dma source(%dma_start3A_153 : memref<2000xi32, #tpu.memory_space<hbm>>) target(%arg8 : memref<2000xi32, #tpu.memory_space<vmem>>) target_semaphore(%arg18 : memref<!tpu.dma_semaphore, #tpu.memory_space<semaphore_mem>>)
    %dma_start3A_154 = arith.constant 0 : i32
    %dma_start3A_155 = tpu.memref_slice %arg9[%dma_start3A_154] : memref<2000xi32, #tpu.memory_space<vmem>> -> memref<80xi32, #tpu.memory_space<vmem>>
    %dma_start3A_156 = arith.constant 0 : i32
    %dma_start3A_157 = arith.constant 0 : i32
    %dma_start3A_158 = tpu.memref_slice %arg2[%dma_start3A_156, %dma_start3A_157] : memref<10000x128xf32, #tpu.memory_space<hbm>> -> memref<10000x128xf32, #tpu.memory_space<hbm>>
    tpu.enqueue_indirect_dma source(%dma_start3A_158 : memref<10000x128xf32, #tpu.memory_space<hbm>>) target(%arg11 : memref<80x128xf32, #tpu.memory_space<vmem>>) offsets(%dma_start3A_155 : memref<80xi32, #tpu.memory_space<vmem>>) semaphore(%arg15 : memref<!tpu.dma_semaphore, #tpu.memory_space<semaphore_mem>>)
    %scan3A_159 = arith.constant 0 : i32
    %scan3A_160 = arith.constant 0 : i32
    %scan3A_161 = arith.constant 12 : i32
    %scan3A_162 = arith.addi %scan3A_160, %scan3A_161 : i32
    %scan3A_163 = arith.constant 1 : i32
    scf.for %scan3A_463 = %scan3A_160 to %scan3A_162 step %scan3A_163  : i32 {
      %mul3A_464 = arith.constant 2 : i32
      %mul3A_465 = arith.muli %mul3A_464, %scan3A_463 : i32
      %add3A_466 = arith.constant 1 : i32
      %add3A_467 = arith.addi %mul3A_465, %add3A_466 : i32
      %mul3A_468 = arith.constant 80 : i32
      %mul3A_469 = arith.muli %add3A_467, %mul3A_468 : i32
      %dma_start3A_470 = tpu.memref_slice %arg9[%mul3A_469] : memref<2000xi32, #tpu.memory_space<vmem>> -> memref<80xi32, #tpu.memory_space<vmem>>
      %dma_start3A_471 = arith.constant 0 : i32
      %dma_start3A_472 = arith.constant 0 : i32
      %dma_start3A_473 = tpu.memref_slice %arg2[%dma_start3A_471, %dma_start3A_472] : memref<10000x128xf32, #tpu.memory_space<hbm>> -> memref<10000x128xf32, #tpu.memory_space<hbm>>
      tpu.enqueue_indirect_dma source(%dma_start3A_473 : memref<10000x128xf32, #tpu.memory_space<hbm>>) target(%arg12 : memref<80x128xf32, #tpu.memory_space<vmem>>) offsets(%dma_start3A_470 : memref<80xi32, #tpu.memory_space<vmem>>) semaphore(%arg16 : memref<!tpu.dma_semaphore, #tpu.memory_space<semaphore_mem>>)
      %mul3A_474 = arith.constant 80 : i32
      %mul3A_475 = arith.muli %mul3A_465, %mul3A_474 : i32
      %dma_wait3A_476 = tpu.memref_slice %arg9[%mul3A_475] : memref<2000xi32, #tpu.memory_space<vmem>> -> memref<80xi32, #tpu.memory_space<vmem>>
      %dma_wait3A_477 = arith.constant 0 : i32
      %dma_wait3A_478 = arith.constant 0 : i32
      %dma_wait3A_479 = tpu.memref_slice %arg2[%dma_wait3A_477, %dma_wait3A_478] : memref<10000x128xf32, #tpu.memory_space<hbm>> -> memref<10000x128xf32, #tpu.memory_space<hbm>>
      tpu.wait_indirect_dma semaphore(%arg15 : memref<!tpu.dma_semaphore, #tpu.memory_space<semaphore_mem>>) src(%dma_wait3A_479 : memref<10000x128xf32, #tpu.memory_space<hbm>>) dst(%arg11 : memref<80x128xf32, #tpu.memory_space<vmem>>)
      %mul3A_480 = arith.constant 80 : i32
      %mul3A_481 = arith.muli %mul3A_465, %mul3A_480 : i32
      %get3A_482 = tpu.memref_slice %arg10[%mul3A_481] : memref<2000xi32, #tpu.memory_space<vmem>> -> memref<80xi32, #tpu.memory_space<vmem>>
      %get3A_483 = arith.constant 0 : index
      %get3A_484 = tpu.vector_load %get3A_482[%get3A_483] {strides = array<i32>} : memref<80xi32, #tpu.memory_space<vmem>>, vector<16xi32>,
      %shift_right_logical3A_485 = arith.constant 7 : i32
      %shift_right_logical3A_486 = vector.broadcast %shift_right_logical3A_485 : i32 to vector<16xi32>
      %shift_right_logical3A_487 = arith.shrui %get3A_484, %shift_right_logical3A_486 : vector<16xi32>
      %and3A_488 = arith.constant 127 : i32
      %and3A_489 = vector.broadcast %and3A_488 : i32 to vector<16xi32>
      %and3A_490 = arith.andi %get3A_484, %and3A_489 : vector<16xi32>
      tpu.vector_store_idx %arg13[%shift_right_logical3A_487, %and3A_490], %broadcast_in_dim3A_58 {add = true} : memref<80x128xf32, #tpu.memory_space<vmem>>[vector<16xi32>, vector<16xi32>], vector<16xf32>,
      %get3A_491 = tpu.memref_slice %arg10[%mul3A_481] : memref<2000xi32, #tpu.memory_space<vmem>> -> memref<80xi32, #tpu.memory_space<vmem>>
      %get3A_492 = arith.constant 16 : index
      %get3A_493 = tpu.vector_load %get3A_491[%get3A_492] {strides = array<i32>} : memref<80xi32, #tpu.memory_space<vmem>>, vector<16xi32>,
      %shift_right_logical3A_494 = arith.constant 7 : i32
      %shift_right_logical3A_495 = vector.broadcast %shift_right_logical3A_494 : i32 to vector<16xi32>
      %shift_right_logical3A_496 = arith.shrui %get3A_493, %shift_right_logical3A_495 : vector<16xi32>
      %and3A_497 = arith.constant 127 : i32
      %and3A_498 = vector.broadcast %and3A_497 : i32 to vector<16xi32>
      %and3A_499 = arith.andi %get3A_493, %and3A_498 : vector<16xi32>
      tpu.vector_store_idx %arg13[%shift_right_logical3A_496, %and3A_499], %broadcast_in_dim3A_58 {add = true} : memref<80x128xf32, #tpu.memory_space<vmem>>[vector<16xi32>, vector<16xi32>], vector<16xf32>,
      %get3A_500 = tpu.memref_slice %arg10[%mul3A_481] : memref<2000xi32, #tpu.memory_space<vmem>> -> memref<80xi32, #tpu.memory_space<vmem>>
      %get3A_501 = arith.constant 32 : index
      %get3A_502 = tpu.vector_load %get3A_500[%get3A_501] {strides = array<i32>} : memref<80xi32, #tpu.memory_space<vmem>>, vector<16xi32>,
      %shift_right_logical3A_503 = arith.constant 7 : i32
      %shift_right_logical3A_504 = vector.broadcast %shift_right_logical3A_503 : i32 to vector<16xi32>
      %shift_right_logical3A_505 = arith.shrui %get3A_502, %shift_right_logical3A_504 : vector<16xi32>
      %and3A_506 = arith.constant 127 : i32
      %and3A_507 = vector.broadcast %and3A_506 : i32 to vector<16xi32>
      %and3A_508 = arith.andi %get3A_502, %and3A_507 : vector<16xi32>
      tpu.vector_store_idx %arg13[%shift_right_logical3A_505, %and3A_508], %broadcast_in_dim3A_58 {add = true} : memref<80x128xf32, #tpu.memory_space<vmem>>[vector<16xi32>, vector<16xi32>], vector<16xf32>,
      %get3A_509 = tpu.memref_slice %arg10[%mul3A_481] : memref<2000xi32, #tpu.memory_space<vmem>> -> memref<80xi32, #tpu.memory_space<vmem>>
      %get3A_510 = arith.constant 48 : index
      %get3A_511 = tpu.vector_load %get3A_509[%get3A_510] {strides = array<i32>} : memref<80xi32, #tpu.memory_space<vmem>>, vector<16xi32>,
      %shift_right_logical3A_512 = arith.constant 7 : i32
      %shift_right_logical3A_513 = vector.broadcast %shift_right_logical3A_512 : i32 to vector<16xi32>
      %shift_right_logical3A_514 = arith.shrui %get3A_511, %shift_right_logical3A_513 : vector<16xi32>
      %and3A_515 = arith.constant 127 : i32
      %and3A_516 = vector.broadcast %and3A_515 : i32 to vector<16xi32>
      %and3A_517 = arith.andi %get3A_511, %and3A_516 : vector<16xi32>
      tpu.vector_store_idx %arg13[%shift_right_logical3A_514, %and3A_517], %broadcast_in_dim3A_58 {add = true} : memref<80x128xf32, #tpu.memory_space<vmem>>[vector<16xi32>, vector<16xi32>], vector<16xf32>,
      %get3A_518 = tpu.memref_slice %arg10[%mul3A_481] : memref<2000xi32, #tpu.memory_space<vmem>> -> memref<80xi32, #tpu.memory_space<vmem>>
      %get3A_519 = arith.constant 64 : index
      %get3A_520 = tpu.vector_load %get3A_518[%get3A_519] {strides = array<i32>} : memref<80xi32, #tpu.memory_space<vmem>>, vector<16xi32>,
      %shift_right_logical3A_521 = arith.constant 7 : i32
      %shift_right_logical3A_522 = vector.broadcast %shift_right_logical3A_521 : i32 to vector<16xi32>
      %shift_right_logical3A_523 = arith.shrui %get3A_520, %shift_right_logical3A_522 : vector<16xi32>
      %and3A_524 = arith.constant 127 : i32
      %and3A_525 = vector.broadcast %and3A_524 : i32 to vector<16xi32>
      %and3A_526 = arith.andi %get3A_520, %and3A_525 : vector<16xi32>
      tpu.vector_store_idx %arg13[%shift_right_logical3A_523, %and3A_526], %broadcast_in_dim3A_58 {add = true} : memref<80x128xf32, #tpu.memory_space<vmem>>[vector<16xi32>, vector<16xi32>], vector<16xf32>,
      %add3A_527 = arith.constant 2 : i32
      %add3A_528 = arith.addi %mul3A_465, %add3A_527 : i32
      %mul3A_529 = arith.constant 80 : i32
      %mul3A_530 = arith.muli %add3A_528, %mul3A_529 : i32
      %dma_start3A_531 = tpu.memref_slice %arg9[%mul3A_530] : memref<2000xi32, #tpu.memory_space<vmem>> -> memref<80xi32, #tpu.memory_space<vmem>>
      %dma_start3A_532 = arith.constant 0 : i32
      %dma_start3A_533 = arith.constant 0 : i32
      %dma_start3A_534 = tpu.memref_slice %arg2[%dma_start3A_532, %dma_start3A_533] : memref<10000x128xf32, #tpu.memory_space<hbm>> -> memref<10000x128xf32, #tpu.memory_space<hbm>>
      tpu.enqueue_indirect_dma source(%dma_start3A_534 : memref<10000x128xf32, #tpu.memory_space<hbm>>) target(%arg11 : memref<80x128xf32, #tpu.memory_space<vmem>>) offsets(%dma_start3A_531 : memref<80xi32, #tpu.memory_space<vmem>>) semaphore(%arg15 : memref<!tpu.dma_semaphore, #tpu.memory_space<semaphore_mem>>)
      %dma_wait3A_535 = tpu.memref_slice %arg9[%mul3A_469] : memref<2000xi32, #tpu.memory_space<vmem>> -> memref<80xi32, #tpu.memory_space<vmem>>
      %dma_wait3A_536 = arith.constant 0 : i32
      %dma_wait3A_537 = arith.constant 0 : i32
      %dma_wait3A_538 = tpu.memref_slice %arg2[%dma_wait3A_536, %dma_wait3A_537] : memref<10000x128xf32, #tpu.memory_space<hbm>> -> memref<10000x128xf32, #tpu.memory_space<hbm>>
      tpu.wait_indirect_dma semaphore(%arg16 : memref<!tpu.dma_semaphore, #tpu.memory_space<semaphore_mem>>) src(%dma_wait3A_538 : memref<10000x128xf32, #tpu.memory_space<hbm>>) dst(%arg12 : memref<80x128xf32, #tpu.memory_space<vmem>>)
      %add3A_539 = arith.constant 1 : i32
      %add3A_540 = arith.addi %mul3A_465, %add3A_539 : i32
      %mul3A_541 = arith.constant 80 : i32
      %mul3A_542 = arith.muli %add3A_540, %mul3A_541 : i32
      %get3A_543 = tpu.memref_slice %arg10[%mul3A_542] : memref<2000xi32, #tpu.memory_space<vmem>> -> memref<80xi32, #tpu.memory_space<vmem>>
      %get3A_544 = arith.constant 0 : index
      %get3A_545 = tpu.vector_load %get3A_543[%get3A_544] {strides = array<i32>} : memref<80xi32, #tpu.memory_space<vmem>>, vector<16xi32>,
      %shift_right_logical3A_546 = arith.constant 7 : i32
      %shift_right_logical3A_547 = vector.broadcast %shift_right_logical3A_546 : i32 to vector<16xi32>
      %shift_right_logical3A_548 = arith.shrui %get3A_545, %shift_right_logical3A_547 : vector<16xi32>
      %and3A_549 = arith.constant 127 : i32
      %and3A_550 = vector.broadcast %and3A_549 : i32 to vector<16xi32>
      %and3A_551 = arith.andi %get3A_545, %and3A_550 : vector<16xi32>
      tpu.vector_store_idx %arg13[%shift_right_logical3A_548, %and3A_551], %broadcast_in_dim3A_58 {add = true} : memref<80x128xf32, #tpu.memory_space<vmem>>[vector<16xi32>, vector<16xi32>], vector<16xf32>,
      %get3A_552 = tpu.memref_slice %arg10[%mul3A_542] : memref<2000xi32, #tpu.memory_space<vmem>> -> memref<80xi32, #tpu.memory_space<vmem>>
      %get3A_553 = arith.constant 16 : index
      %get3A_554 = tpu.vector_load %get3A_552[%get3A_553] {strides = array<i32>} : memref<80xi32, #tpu.memory_space<vmem>>, vector<16xi32>,
      %shift_right_logical3A_555 = arith.constant 7 : i32
      %shift_right_logical3A_556 = vector.broadcast %shift_right_logical3A_555 : i32 to vector<16xi32>
      %shift_right_logical3A_557 = arith.shrui %get3A_554, %shift_right_logical3A_556 : vector<16xi32>
      %and3A_558 = arith.constant 127 : i32
      %and3A_559 = vector.broadcast %and3A_558 : i32 to vector<16xi32>
      %and3A_560 = arith.andi %get3A_554, %and3A_559 : vector<16xi32>
      tpu.vector_store_idx %arg13[%shift_right_logical3A_557, %and3A_560], %broadcast_in_dim3A_58 {add = true} : memref<80x128xf32, #tpu.memory_space<vmem>>[vector<16xi32>, vector<16xi32>], vector<16xf32>,
      %get3A_561 = tpu.memref_slice %arg10[%mul3A_542] : memref<2000xi32, #tpu.memory_space<vmem>> -> memref<80xi32, #tpu.memory_space<vmem>>
      %get3A_562 = arith.constant 32 : index
      %get3A_563 = tpu.vector_load %get3A_561[%get3A_562] {strides = array<i32>} : memref<80xi32, #tpu.memory_space<vmem>>, vector<16xi32>,
      %shift_right_logical3A_564 = arith.constant 7 : i32
      %shift_right_logical3A_565 = vector.broadcast %shift_right_logical3A_564 : i32 to vector<16xi32>
      %shift_right_logical3A_566 = arith.shrui %get3A_563, %shift_right_logical3A_565 : vector<16xi32>
      %and3A_567 = arith.constant 127 : i32
      %and3A_568 = vector.broadcast %and3A_567 : i32 to vector<16xi32>
      %and3A_569 = arith.andi %get3A_563, %and3A_568 : vector<16xi32>
      tpu.vector_store_idx %arg13[%shift_right_logical3A_566, %and3A_569], %broadcast_in_dim3A_58 {add = true} : memref<80x128xf32, #tpu.memory_space<vmem>>[vector<16xi32>, vector<16xi32>], vector<16xf32>,
      %get3A_570 = tpu.memref_slice %arg10[%mul3A_542] : memref<2000xi32, #tpu.memory_space<vmem>> -> memref<80xi32, #tpu.memory_space<vmem>>
      %get3A_571 = arith.constant 48 : index
      %get3A_572 = tpu.vector_load %get3A_570[%get3A_571] {strides = array<i32>} : memref<80xi32, #tpu.memory_space<vmem>>, vector<16xi32>,
      %shift_right_logical3A_573 = arith.constant 7 : i32
      %shift_right_logical3A_574 = vector.broadcast %shift_right_logical3A_573 : i32 to vector<16xi32>
      %shift_right_logical3A_575 = arith.shrui %get3A_572, %shift_right_logical3A_574 : vector<16xi32>
      %and3A_576 = arith.constant 127 : i32
      %and3A_577 = vector.broadcast %and3A_576 : i32 to vector<16xi32>
      %and3A_578 = arith.andi %get3A_572, %and3A_577 : vector<16xi32>
      tpu.vector_store_idx %arg13[%shift_right_logical3A_575, %and3A_578], %broadcast_in_dim3A_58 {add = true} : memref<80x128xf32, #tpu.memory_space<vmem>>[vector<16xi32>, vector<16xi32>], vector<16xf32>,
      %get3A_579 = tpu.memref_slice %arg10[%mul3A_542] : memref<2000xi32, #tpu.memory_space<vmem>> -> memref<80xi32, #tpu.memory_space<vmem>>
      %get3A_580 = arith.constant 64 : index
      %get3A_581 = tpu.vector_load %get3A_579[%get3A_580] {strides = array<i32>} : memref<80xi32, #tpu.memory_space<vmem>>, vector<16xi32>,
      %shift_right_logical3A_582 = arith.constant 7 : i32
      %shift_right_logical3A_583 = vector.broadcast %shift_right_logical3A_582 : i32 to vector<16xi32>
      %shift_right_logical3A_584 = arith.shrui %get3A_581, %shift_right_logical3A_583 : vector<16xi32>
      %and3A_585 = arith.constant 127 : i32
      %and3A_586 = vector.broadcast %and3A_585 : i32 to vector<16xi32>
      %and3A_587 = arith.andi %get3A_581, %and3A_586 : vector<16xi32>
      tpu.vector_store_idx %arg13[%shift_right_logical3A_584, %and3A_587], %broadcast_in_dim3A_58 {add = true} : memref<80x128xf32, #tpu.memory_space<vmem>>[vector<16xi32>, vector<16xi32>], vector<16xf32>,
    }
    %scan3A_164 = arith.constant 12 : i32
    %dma_wait3A_165 = arith.constant 1920 : i32
    %dma_wait3A_166 = tpu.memref_slice %arg9[%dma_wait3A_165] : memref<2000xi32, #tpu.memory_space<vmem>> -> memref<80xi32, #tpu.memory_space<vmem>>
    %dma_wait3A_167 = arith.constant 0 : i32
    %dma_wait3A_168 = arith.constant 0 : i32
    %dma_wait3A_169 = tpu.memref_slice %arg2[%dma_wait3A_167, %dma_wait3A_168] : memref<10000x128xf32, #tpu.memory_space<hbm>> -> memref<10000x128xf32, #tpu.memory_space<hbm>>
    tpu.wait_indirect_dma semaphore(%arg15 : memref<!tpu.dma_semaphore, #tpu.memory_space<semaphore_mem>>) src(%dma_wait3A_169 : memref<10000x128xf32, #tpu.memory_space<hbm>>) dst(%arg11 : memref<80x128xf32, #tpu.memory_space<vmem>>)
    %get3A_170 = arith.constant 1920 : i32
    %get3A_171 = tpu.memref_slice %arg10[%get3A_170] : memref<2000xi32, #tpu.memory_space<vmem>> -> memref<80xi32, #tpu.memory_space<vmem>>
    %get3A_172 = arith.constant 0 : index
    %get3A_173 = tpu.vector_load %get3A_171[%get3A_172] {strides = array<i32>} : memref<80xi32, #tpu.memory_space<vmem>>, vector<16xi32>,
    %shift_right_logical3A_174 = arith.constant 7 : i32
    %shift_right_logical3A_175 = vector.broadcast %shift_right_logical3A_174 : i32 to vector<16xi32>
    %shift_right_logical3A_176 = arith.shrui %get3A_173, %shift_right_logical3A_175 : vector<16xi32>
    %and3A_177 = arith.constant 127 : i32
    %and3A_178 = vector.broadcast %and3A_177 : i32 to vector<16xi32>
    %and3A_179 = arith.andi %get3A_173, %and3A_178 : vector<16xi32>
    tpu.vector_store_idx %arg13[%shift_right_logical3A_176, %and3A_179], %broadcast_in_dim3A_58 {add = true} : memref<80x128xf32, #tpu.memory_space<vmem>>[vector<16xi32>, vector<16xi32>], vector<16xf32>,
    %get3A_180 = arith.constant 1920 : i32
    %get3A_181 = tpu.memref_slice %arg10[%get3A_180] : memref<2000xi32, #tpu.memory_space<vmem>> -> memref<80xi32, #tpu.memory_space<vmem>>
    %get3A_182 = arith.constant 16 : index
    %get3A_183 = tpu.vector_load %get3A_181[%get3A_182] {strides = array<i32>} : memref<80xi32, #tpu.memory_space<vmem>>, vector<16xi32>,
    %shift_right_logical3A_184 = arith.constant 7 : i32
    %shift_right_logical3A_185 = vector.broadcast %shift_right_logical3A_184 : i32 to vector<16xi32>
    %shift_right_logical3A_186 = arith.shrui %get3A_183, %shift_right_logical3A_185 : vector<16xi32>
    %and3A_187 = arith.constant 127 : i32
    %and3A_188 = vector.broadcast %and3A_187 : i32 to vector<16xi32>
    %and3A_189 = arith.andi %get3A_183, %and3A_188 : vector<16xi32>
    tpu.vector_store_idx %arg13[%shift_right_logical3A_186, %and3A_189], %broadcast_in_dim3A_58 {add = true} : memref<80x128xf32, #tpu.memory_space<vmem>>[vector<16xi32>, vector<16xi32>], vector<16xf32>,
    %get3A_190 = arith.constant 1920 : i32
    %get3A_191 = tpu.memref_slice %arg10[%get3A_190] : memref<2000xi32, #tpu.memory_space<vmem>> -> memref<80xi32, #tpu.memory_space<vmem>>
    %get3A_192 = arith.constant 32 : index
    %get3A_193 = tpu.vector_load %get3A_191[%get3A_192] {strides = array<i32>} : memref<80xi32, #tpu.memory_space<vmem>>, vector<16xi32>,
    %shift_right_logical3A_194 = arith.constant 7 : i32
    %shift_right_logical3A_195 = vector.broadcast %shift_right_logical3A_194 : i32 to vector<16xi32>
    %shift_right_logical3A_196 = arith.shrui %get3A_193, %shift_right_logical3A_195 : vector<16xi32>
    %and3A_197 = arith.constant 127 : i32
    %and3A_198 = vector.broadcast %and3A_197 : i32 to vector<16xi32>
    %and3A_199 = arith.andi %get3A_193, %and3A_198 : vector<16xi32>
    tpu.vector_store_idx %arg13[%shift_right_logical3A_196, %and3A_199], %broadcast_in_dim3A_58 {add = true} : memref<80x128xf32, #tpu.memory_space<vmem>>[vector<16xi32>, vector<16xi32>], vector<16xf32>,
    %get3A_200 = arith.constant 1920 : i32
    %get3A_201 = tpu.memref_slice %arg10[%get3A_200] : memref<2000xi32, #tpu.memory_space<vmem>> -> memref<80xi32, #tpu.memory_space<vmem>>
    %get3A_202 = arith.constant 48 : index
    %get3A_203 = tpu.vector_load %get3A_201[%get3A_202] {strides = array<i32>} : memref<80xi32, #tpu.memory_space<vmem>>, vector<16xi32>,
    %shift_right_logical3A_204 = arith.constant 7 : i32
    %shift_right_logical3A_205 = vector.broadcast %shift_right_logical3A_204 : i32 to vector<16xi32>
    %shift_right_logical3A_206 = arith.shrui %get3A_203, %shift_right_logical3A_205 : vector<16xi32>
    %and3A_207 = arith.constant 127 : i32
    %and3A_208 = vector.broadcast %and3A_207 : i32 to vector<16xi32>
    %and3A_209 = arith.andi %get3A_203, %and3A_208 : vector<16xi32>
    tpu.vector_store_idx %arg13[%shift_right_logical3A_206, %and3A_209], %broadcast_in_dim3A_58 {add = true} : memref<80x128xf32, #tpu.memory_space<vmem>>[vector<16xi32>, vector<16xi32>], vector<16xf32>,
    %get3A_210 = arith.constant 1920 : i32
    %get3A_211 = tpu.memref_slice %arg10[%get3A_210] : memref<2000xi32, #tpu.memory_space<vmem>> -> memref<80xi32, #tpu.memory_space<vmem>>
    %get3A_212 = arith.constant 64 : index
    %get3A_213 = tpu.vector_load %get3A_211[%get3A_212] {strides = array<i32>} : memref<80xi32, #tpu.memory_space<vmem>>, vector<16xi32>,
    %shift_right_logical3A_214 = arith.constant 7 : i32
    %shift_right_logical3A_215 = vector.broadcast %shift_right_logical3A_214 : i32 to vector<16xi32>
    %shift_right_logical3A_216 = arith.shrui %get3A_213, %shift_right_logical3A_215 : vector<16xi32>
    %and3A_217 = arith.constant 127 : i32
    %and3A_218 = vector.broadcast %and3A_217 : i32 to vector<16xi32>
    %and3A_219 = arith.andi %get3A_213, %and3A_218 : vector<16xi32>
    tpu.vector_store_idx %arg13[%shift_right_logical3A_216, %and3A_219], %broadcast_in_dim3A_58 {add = true} : memref<80x128xf32, #tpu.memory_space<vmem>>[vector<16xi32>, vector<16xi32>], vector<16xf32>,
    %dma_wait3A_220 = arith.constant 0 : i32
    %dma_wait3A_221 = tpu.memref_slice %arg3[%dma_wait3A_220] : memref<320000xi32, #tpu.memory_space<hbm>> -> memref<2000xi32, #tpu.memory_space<hbm>>
    %dma_wait3A_222 = arith.constant 0 : i32
    %dma_wait3A_223 = tpu.memref_slice %arg3[%dma_wait3A_222] : memref<320000xi32, #tpu.memory_space<hbm>> -> memref<2000xi32, #tpu.memory_space<hbm>>
    tpu.wait_dma2 semaphore(%arg17 : memref<!tpu.dma_semaphore, #tpu.memory_space<semaphore_mem>>) src(%dma_wait3A_223 : memref<2000xi32, #tpu.memory_space<hbm>>) dst(%arg7 : memref<2000xi32, #tpu.memory_space<vmem>>)
    %dma_wait3A_224 = arith.constant 0 : i32
    %dma_wait3A_225 = tpu.memref_slice %arg4[%dma_wait3A_224] : memref<320000xi32, #tpu.memory_space<hbm>> -> memref<2000xi32, #tpu.memory_space<hbm>>
    %dma_wait3A_226 = arith.constant 0 : i32
    %dma_wait3A_227 = tpu.memref_slice %arg4[%dma_wait3A_226] : memref<320000xi32, #tpu.memory_space<hbm>> -> memref<2000xi32, #tpu.memory_space<hbm>>
    tpu.wait_dma2 semaphore(%arg18 : memref<!tpu.dma_semaphore, #tpu.memory_space<semaphore_mem>>) src(%dma_wait3A_227 : memref<2000xi32, #tpu.memory_space<hbm>>) dst(%arg8 : memref<2000xi32, #tpu.memory_space<vmem>>)
    %add3A_228 = arith.constant 6000 : i32
    %add3A_229 = arith.addi %mul3A_56, %add3A_228 : i32
    %dma_start3A_230 = tpu.memref_slice %arg3[%add3A_229] : memref<320000xi32, #tpu.memory_space<hbm>> -> memref<2000xi32, #tpu.memory_space<hbm>>
    %dma_start3A_231 = tpu.memref_slice %arg3[%add3A_229] : memref<320000xi32, #tpu.memory_space<hbm>> -> memref<2000xi32, #tpu.memory_space<hbm>>
    tpu.enqueue_dma source(%dma_start3A_231 : memref<2000xi32, #tpu.memory_space<hbm>>) target(%arg9 : memref<2000xi32, #tpu.memory_space<vmem>>) target_semaphore(%arg19 : memref<!tpu.dma_semaphore, #tpu.memory_space<semaphore_mem>>)
    %dma_start3A_232 = tpu.memref_slice %arg4[%add3A_229] : memref<320000xi32, #tpu.memory_space<hbm>> -> memref<2000xi32, #tpu.memory_space<hbm>>
    %dma_start3A_233 = tpu.memref_slice %arg4[%add3A_229] : memref<320000xi32, #tpu.memory_space<hbm>> -> memref<2000xi32, #tpu.memory_space<hbm>>
    tpu.enqueue_dma source(%dma_start3A_233 : memref<2000xi32, #tpu.memory_space<hbm>>) target(%arg10 : memref<2000xi32, #tpu.memory_space<vmem>>) target_semaphore(%arg20 : memref<!tpu.dma_semaphore, #tpu.memory_space<semaphore_mem>>)
    %dma_start3A_234 = arith.constant 0 : i32
    %dma_start3A_235 = tpu.memref_slice %arg7[%dma_start3A_234] : memref<2000xi32, #tpu.memory_space<vmem>> -> memref<80xi32, #tpu.memory_space<vmem>>
    %dma_start3A_236 = arith.constant 0 : i32
    %dma_start3A_237 = arith.constant 0 : i32
    %dma_start3A_238 = tpu.memref_slice %arg2[%dma_start3A_236, %dma_start3A_237] : memref<10000x128xf32, #tpu.memory_space<hbm>> -> memref<10000x128xf32, #tpu.memory_space<hbm>>
    tpu.enqueue_indirect_dma source(%dma_start3A_238 : memref<10000x128xf32, #tpu.memory_space<hbm>>) target(%arg11 : memref<80x128xf32, #tpu.memory_space<vmem>>) offsets(%dma_start3A_235 : memref<80xi32, #tpu.memory_space<vmem>>) semaphore(%arg15 : memref<!tpu.dma_semaphore, #tpu.memory_space<semaphore_mem>>)
    %scan3A_239 = arith.constant 0 : i32
    %scan3A_240 = arith.constant 0 : i32
    %scan3A_241 = arith.constant 12 : i32
    %scan3A_242 = arith.addi %scan3A_240, %scan3A_241 : i32
    %scan3A_243 = arith.constant 1 : i32
    scf.for %scan3A_463 = %scan3A_240 to %scan3A_242 step %scan3A_243  : i32 {
      %mul3A_464 = arith.constant 2 : i32
      %mul3A_465 = arith.muli %mul3A_464, %scan3A_463 : i32
      %add3A_466 = arith.constant 1 : i32
      %add3A_467 = arith.addi %mul3A_465, %add3A_466 : i32
      %mul3A_468 = arith.constant 80 : i32
      %mul3A_469 = arith.muli %add3A_467, %mul3A_468 : i32
      %dma_start3A_470 = tpu.memref_slice %arg7[%mul3A_469] : memref<2000xi32, #tpu.memory_space<vmem>> -> memref<80xi32, #tpu.memory_space<vmem>>
      %dma_start3A_471 = arith.constant 0 : i32
      %dma_start3A_472 = arith.constant 0 : i32
      %dma_start3A_473 = tpu.memref_slice %arg2[%dma_start3A_471, %dma_start3A_472] : memref<10000x128xf32, #tpu.memory_space<hbm>> -> memref<10000x128xf32, #tpu.memory_space<hbm>>
      tpu.enqueue_indirect_dma source(%dma_start3A_473 : memref<10000x128xf32, #tpu.memory_space<hbm>>) target(%arg12 : memref<80x128xf32, #tpu.memory_space<vmem>>) offsets(%dma_start3A_470 : memref<80xi32, #tpu.memory_space<vmem>>) semaphore(%arg16 : memref<!tpu.dma_semaphore, #tpu.memory_space<semaphore_mem>>)
      %mul3A_474 = arith.constant 80 : i32
      %mul3A_475 = arith.muli %mul3A_465, %mul3A_474 : i32
      %dma_wait3A_476 = tpu.memref_slice %arg7[%mul3A_475] : memref<2000xi32, #tpu.memory_space<vmem>> -> memref<80xi32, #tpu.memory_space<vmem>>
      %dma_wait3A_477 = arith.constant 0 : i32
      %dma_wait3A_478 = arith.constant 0 : i32
      %dma_wait3A_479 = tpu.memref_slice %arg2[%dma_wait3A_477, %dma_wait3A_478] : memref<10000x128xf32, #tpu.memory_space<hbm>> -> memref<10000x128xf32, #tpu.memory_space<hbm>>
      tpu.wait_indirect_dma semaphore(%arg15 : memref<!tpu.dma_semaphore, #tpu.memory_space<semaphore_mem>>) src(%dma_wait3A_479 : memref<10000x128xf32, #tpu.memory_space<hbm>>) dst(%arg11 : memref<80x128xf32, #tpu.memory_space<vmem>>)
      %mul3A_480 = arith.constant 80 : i32
      %mul3A_481 = arith.muli %mul3A_465, %mul3A_480 : i32
      %get3A_482 = tpu.memref_slice %arg8[%mul3A_481] : memref<2000xi32, #tpu.memory_space<vmem>> -> memref<80xi32, #tpu.memory_space<vmem>>
      %get3A_483 = arith.constant 0 : index
      %get3A_484 = tpu.vector_load %get3A_482[%get3A_483] {strides = array<i32>} : memref<80xi32, #tpu.memory_space<vmem>>, vector<16xi32>,
      %shift_right_logical3A_485 = arith.constant 7 : i32
      %shift_right_logical3A_486 = vector.broadcast %shift_right_logical3A_485 : i32 to vector<16xi32>
      %shift_right_logical3A_487 = arith.shrui %get3A_484, %shift_right_logical3A_486 : vector<16xi32>
      %and3A_488 = arith.constant 127 : i32
      %and3A_489 = vector.broadcast %and3A_488 : i32 to vector<16xi32>
      %and3A_490 = arith.andi %get3A_484, %and3A_489 : vector<16xi32>
      tpu.vector_store_idx %arg13[%shift_right_logical3A_487, %and3A_490], %broadcast_in_dim3A_58 {add = true} : memref<80x128xf32, #tpu.memory_space<vmem>>[vector<16xi32>, vector<16xi32>], vector<16xf32>,
      %get3A_491 = tpu.memref_slice %arg8[%mul3A_481] : memref<2000xi32, #tpu.memory_space<vmem>> -> memref<80xi32, #tpu.memory_space<vmem>>
      %get3A_492 = arith.constant 16 : index
      %get3A_493 = tpu.vector_load %get3A_491[%get3A_492] {strides = array<i32>} : memref<80xi32, #tpu.memory_space<vmem>>, vector<16xi32>,
      %shift_right_logical3A_494 = arith.constant 7 : i32
      %shift_right_logical3A_495 = vector.broadcast %shift_right_logical3A_494 : i32 to vector<16xi32>
      %shift_right_logical3A_496 = arith.shrui %get3A_493, %shift_right_logical3A_495 : vector<16xi32>
      %and3A_497 = arith.constant 127 : i32
      %and3A_498 = vector.broadcast %and3A_497 : i32 to vector<16xi32>
      %and3A_499 = arith.andi %get3A_493, %and3A_498 : vector<16xi32>
      tpu.vector_store_idx %arg13[%shift_right_logical3A_496, %and3A_499], %broadcast_in_dim3A_58 {add = true} : memref<80x128xf32, #tpu.memory_space<vmem>>[vector<16xi32>, vector<16xi32>], vector<16xf32>,
      %get3A_500 = tpu.memref_slice %arg8[%mul3A_481] : memref<2000xi32, #tpu.memory_space<vmem>> -> memref<80xi32, #tpu.memory_space<vmem>>
      %get3A_501 = arith.constant 32 : index
      %get3A_502 = tpu.vector_load %get3A_500[%get3A_501] {strides = array<i32>} : memref<80xi32, #tpu.memory_space<vmem>>, vector<16xi32>,
      %shift_right_logical3A_503 = arith.constant 7 : i32
      %shift_right_logical3A_504 = vector.broadcast %shift_right_logical3A_503 : i32 to vector<16xi32>
      %shift_right_logical3A_505 = arith.shrui %get3A_502, %shift_right_logical3A_504 : vector<16xi32>
      %and3A_506 = arith.constant 127 : i32
      %and3A_507 = vector.broadcast %and3A_506 : i32 to vector<16xi32>
      %and3A_508 = arith.andi %get3A_502, %and3A_507 : vector<16xi32>
      tpu.vector_store_idx %arg13[%shift_right_logical3A_505, %and3A_508], %broadcast_in_dim3A_58 {add = true} : memref<80x128xf32, #tpu.memory_space<vmem>>[vector<16xi32>, vector<16xi32>], vector<16xf32>,
      %get3A_509 = tpu.memref_slice %arg8[%mul3A_481] : memref<2000xi32, #tpu.memory_space<vmem>> -> memref<80xi32, #tpu.memory_space<vmem>>
      %get3A_510 = arith.constant 48 : index
      %get3A_511 = tpu.vector_load %get3A_509[%get3A_510] {strides = array<i32>} : memref<80xi32, #tpu.memory_space<vmem>>, vector<16xi32>,
      %shift_right_logical3A_512 = arith.constant 7 : i32
      %shift_right_logical3A_513 = vector.broadcast %shift_right_logical3A_512 : i32 to vector<16xi32>
      %shift_right_logical3A_514 = arith.shrui %get3A_511, %shift_right_logical3A_513 : vector<16xi32>
      %and3A_515 = arith.constant 127 : i32
      %and3A_516 = vector.broadcast %and3A_515 : i32 to vector<16xi32>
      %and3A_517 = arith.andi %get3A_511, %and3A_516 : vector<16xi32>
      tpu.vector_store_idx %arg13[%shift_right_logical3A_514, %and3A_517], %broadcast_in_dim3A_58 {add = true} : memref<80x128xf32, #tpu.memory_space<vmem>>[vector<16xi32>, vector<16xi32>], vector<16xf32>,
      %get3A_518 = tpu.memref_slice %arg8[%mul3A_481] : memref<2000xi32, #tpu.memory_space<vmem>> -> memref<80xi32, #tpu.memory_space<vmem>>
      %get3A_519 = arith.constant 64 : index
      %get3A_520 = tpu.vector_load %get3A_518[%get3A_519] {strides = array<i32>} : memref<80xi32, #tpu.memory_space<vmem>>, vector<16xi32>,
      %shift_right_logical3A_521 = arith.constant 7 : i32
      %shift_right_logical3A_522 = vector.broadcast %shift_right_logical3A_521 : i32 to vector<16xi32>
      %shift_right_logical3A_523 = arith.shrui %get3A_520, %shift_right_logical3A_522 : vector<16xi32>
      %and3A_524 = arith.constant 127 : i32
      %and3A_525 = vector.broadcast %and3A_524 : i32 to vector<16xi32>
      %and3A_526 = arith.andi %get3A_520, %and3A_525 : vector<16xi32>
      tpu.vector_store_idx %arg13[%shift_right_logical3A_523, %and3A_526], %broadcast_in_dim3A_58 {add = true} : memref<80x128xf32, #tpu.memory_space<vmem>>[vector<16xi32>, vector<16xi32>], vector<16xf32>,
      %add3A_527 = arith.constant 2 : i32
      %add3A_528 = arith.addi %mul3A_465, %add3A_527 : i32
      %mul3A_529 = arith.constant 80 : i32
      %mul3A_530 = arith.muli %add3A_528, %mul3A_529 : i32
      %dma_start3A_531 = tpu.memref_slice %arg7[%mul3A_530] : memref<2000xi32, #tpu.memory_space<vmem>> -> memref<80xi32, #tpu.memory_space<vmem>>
      %dma_start3A_532 = arith.constant 0 : i32
      %dma_start3A_533 = arith.constant 0 : i32
      %dma_start3A_534 = tpu.memref_slice %arg2[%dma_start3A_532, %dma_start3A_533] : memref<10000x128xf32, #tpu.memory_space<hbm>> -> memref<10000x128xf32, #tpu.memory_space<hbm>>
      tpu.enqueue_indirect_dma source(%dma_start3A_534 : memref<10000x128xf32, #tpu.memory_space<hbm>>) target(%arg11 : memref<80x128xf32, #tpu.memory_space<vmem>>) offsets(%dma_start3A_531 : memref<80xi32, #tpu.memory_space<vmem>>) semaphore(%arg15 : memref<!tpu.dma_semaphore, #tpu.memory_space<semaphore_mem>>)
      %dma_wait3A_535 = tpu.memref_slice %arg7[%mul3A_469] : memref<2000xi32, #tpu.memory_space<vmem>> -> memref<80xi32, #tpu.memory_space<vmem>>
      %dma_wait3A_536 = arith.constant 0 : i32
      %dma_wait3A_537 = arith.constant 0 : i32
      %dma_wait3A_538 = tpu.memref_slice %arg2[%dma_wait3A_536, %dma_wait3A_537] : memref<10000x128xf32, #tpu.memory_space<hbm>> -> memref<10000x128xf32, #tpu.memory_space<hbm>>
      tpu.wait_indirect_dma semaphore(%arg16 : memref<!tpu.dma_semaphore, #tpu.memory_space<semaphore_mem>>) src(%dma_wait3A_538 : memref<10000x128xf32, #tpu.memory_space<hbm>>) dst(%arg12 : memref<80x128xf32, #tpu.memory_space<vmem>>)
      %add3A_539 = arith.constant 1 : i32
      %add3A_540 = arith.addi %mul3A_465, %add3A_539 : i32
      %mul3A_541 = arith.constant 80 : i32
      %mul3A_542 = arith.muli %add3A_540, %mul3A_541 : i32
      %get3A_543 = tpu.memref_slice %arg8[%mul3A_542] : memref<2000xi32, #tpu.memory_space<vmem>> -> memref<80xi32, #tpu.memory_space<vmem>>
      %get3A_544 = arith.constant 0 : index
      %get3A_545 = tpu.vector_load %get3A_543[%get3A_544] {strides = array<i32>} : memref<80xi32, #tpu.memory_space<vmem>>, vector<16xi32>,
      %shift_right_logical3A_546 = arith.constant 7 : i32
      %shift_right_logical3A_547 = vector.broadcast %shift_right_logical3A_546 : i32 to vector<16xi32>
      %shift_right_logical3A_548 = arith.shrui %get3A_545, %shift_right_logical3A_547 : vector<16xi32>
      %and3A_549 = arith.constant 127 : i32
      %and3A_550 = vector.broadcast %and3A_549 : i32 to vector<16xi32>
      %and3A_551 = arith.andi %get3A_545, %and3A_550 : vector<16xi32>
      tpu.vector_store_idx %arg13[%shift_right_logical3A_548, %and3A_551], %broadcast_in_dim3A_58 {add = true} : memref<80x128xf32, #tpu.memory_space<vmem>>[vector<16xi32>, vector<16xi32>], vector<16xf32>,
      %get3A_552 = tpu.memref_slice %arg8[%mul3A_542] : memref<2000xi32, #tpu.memory_space<vmem>> -> memref<80xi32, #tpu.memory_space<vmem>>
      %get3A_553 = arith.constant 16 : index
      %get3A_554 = tpu.vector_load %get3A_552[%get3A_553] {strides = array<i32>} : memref<80xi32, #tpu.memory_space<vmem>>, vector<16xi32>,
      %shift_right_logical3A_555 = arith.constant 7 : i32
      %shift_right_logical3A_556 = vector.broadcast %shift_right_logical3A_555 : i32 to vector<16xi32>
      %shift_right_logical3A_557 = arith.shrui %get3A_554, %shift_right_logical3A_556 : vector<16xi32>
      %and3A_558 = arith.constant 127 : i32
      %and3A_559 = vector.broadcast %and3A_558 : i32 to vector<16xi32>
      %and3A_560 = arith.andi %get3A_554, %and3A_559 : vector<16xi32>
      tpu.vector_store_idx %arg13[%shift_right_logical3A_557, %and3A_560], %broadcast_in_dim3A_58 {add = true} : memref<80x128xf32, #tpu.memory_space<vmem>>[vector<16xi32>, vector<16xi32>], vector<16xf32>,
      %get3A_561 = tpu.memref_slice %arg8[%mul3A_542] : memref<2000xi32, #tpu.memory_space<vmem>> -> memref<80xi32, #tpu.memory_space<vmem>>
      %get3A_562 = arith.constant 32 : index
      %get3A_563 = tpu.vector_load %get3A_561[%get3A_562] {strides = array<i32>} : memref<80xi32, #tpu.memory_space<vmem>>, vector<16xi32>,
      %shift_right_logical3A_564 = arith.constant 7 : i32
      %shift_right_logical3A_565 = vector.broadcast %shift_right_logical3A_564 : i32 to vector<16xi32>
      %shift_right_logical3A_566 = arith.shrui %get3A_563, %shift_right_logical3A_565 : vector<16xi32>
      %and3A_567 = arith.constant 127 : i32
      %and3A_568 = vector.broadcast %and3A_567 : i32 to vector<16xi32>
      %and3A_569 = arith.andi %get3A_563, %and3A_568 : vector<16xi32>
      tpu.vector_store_idx %arg13[%shift_right_logical3A_566, %and3A_569], %broadcast_in_dim3A_58 {add = true} : memref<80x128xf32, #tpu.memory_space<vmem>>[vector<16xi32>, vector<16xi32>], vector<16xf32>,
      %get3A_570 = tpu.memref_slice %arg8[%mul3A_542] : memref<2000xi32, #tpu.memory_space<vmem>> -> memref<80xi32, #tpu.memory_space<vmem>>
      %get3A_571 = arith.constant 48 : index
      %get3A_572 = tpu.vector_load %get3A_570[%get3A_571] {strides = array<i32>} : memref<80xi32, #tpu.memory_space<vmem>>, vector<16xi32>,
      %shift_right_logical3A_573 = arith.constant 7 : i32
      %shift_right_logical3A_574 = vector.broadcast %shift_right_logical3A_573 : i32 to vector<16xi32>
      %shift_right_logical3A_575 = arith.shrui %get3A_572, %shift_right_logical3A_574 : vector<16xi32>
      %and3A_576 = arith.constant 127 : i32
      %and3A_577 = vector.broadcast %and3A_576 : i32 to vector<16xi32>
      %and3A_578 = arith.andi %get3A_572, %and3A_577 : vector<16xi32>
      tpu.vector_store_idx %arg13[%shift_right_logical3A_575, %and3A_578], %broadcast_in_dim3A_58 {add = true} : memref<80x128xf32, #tpu.memory_space<vmem>>[vector<16xi32>, vector<16xi32>], vector<16xf32>,
      %get3A_579 = tpu.memref_slice %arg8[%mul3A_542] : memref<2000xi32, #tpu.memory_space<vmem>> -> memref<80xi32, #tpu.memory_space<vmem>>
      %get3A_580 = arith.constant 64 : index
      %get3A_581 = tpu.vector_load %get3A_579[%get3A_580] {strides = array<i32>} : memref<80xi32, #tpu.memory_space<vmem>>, vector<16xi32>,
      %shift_right_logical3A_582 = arith.constant 7 : i32
      %shift_right_logical3A_583 = vector.broadcast %shift_right_logical3A_582 : i32 to vector<16xi32>
      %shift_right_logical3A_584 = arith.shrui %get3A_581, %shift_right_logical3A_583 : vector<16xi32>
      %and3A_585 = arith.constant 127 : i32
      %and3A_586 = vector.broadcast %and3A_585 : i32 to vector<16xi32>
      %and3A_587 = arith.andi %get3A_581, %and3A_586 : vector<16xi32>
      tpu.vector_store_idx %arg13[%shift_right_logical3A_584, %and3A_587], %broadcast_in_dim3A_58 {add = true} : memref<80x128xf32, #tpu.memory_space<vmem>>[vector<16xi32>, vector<16xi32>], vector<16xf32>,
    }
    %scan3A_244 = arith.constant 12 : i32
    %dma_wait3A_245 = arith.constant 1920 : i32
    %dma_wait3A_246 = tpu.memref_slice %arg7[%dma_wait3A_245] : memref<2000xi32, #tpu.memory_space<vmem>> -> memref<80xi32, #tpu.memory_space<vmem>>
    %dma_wait3A_247 = arith.constant 0 : i32
    %dma_wait3A_248 = arith.constant 0 : i32
    %dma_wait3A_249 = tpu.memref_slice %arg2[%dma_wait3A_247, %dma_wait3A_248] : memref<10000x128xf32, #tpu.memory_space<hbm>> -> memref<10000x128xf32, #tpu.memory_space<hbm>>
    tpu.wait_indirect_dma semaphore(%arg15 : memref<!tpu.dma_semaphore, #tpu.memory_space<semaphore_mem>>) src(%dma_wait3A_249 : memref<10000x128xf32, #tpu.memory_space<hbm>>) dst(%arg11 : memref<80x128xf32, #tpu.memory_space<vmem>>)
    %get3A_250 = arith.constant 1920 : i32
    %get3A_251 = tpu.memref_slice %arg8[%get3A_250] : memref<2000xi32, #tpu.memory_space<vmem>> -> memref<80xi32, #tpu.memory_space<vmem>>
    %get3A_252 = arith.constant 0 : index
    %get3A_253 = tpu.vector_load %get3A_251[%get3A_252] {strides = array<i32>} : memref<80xi32, #tpu.memory_space<vmem>>, vector<16xi32>,
    %shift_right_logical3A_254 = arith.constant 7 : i32
    %shift_right_logical3A_255 = vector.broadcast %shift_right_logical3A_254 : i32 to vector<16xi32>
    %shift_right_logical3A_256 = arith.shrui %get3A_253, %shift_right_logical3A_255 : vector<16xi32>
    %and3A_257 = arith.constant 127 : i32
    %and3A_258 = vector.broadcast %and3A_257 : i32 to vector<16xi32>
    %and3A_259 = arith.andi %get3A_253, %and3A_258 : vector<16xi32>
    tpu.vector_store_idx %arg13[%shift_right_logical3A_256, %and3A_259], %broadcast_in_dim3A_58 {add = true} : memref<80x128xf32, #tpu.memory_space<vmem>>[vector<16xi32>, vector<16xi32>], vector<16xf32>,
    %get3A_260 = arith.constant 1920 : i32
    %get3A_261 = tpu.memref_slice %arg8[%get3A_260] : memref<2000xi32, #tpu.memory_space<vmem>> -> memref<80xi32, #tpu.memory_space<vmem>>
    %get3A_262 = arith.constant 16 : index
    %get3A_263 = tpu.vector_load %get3A_261[%get3A_262] {strides = array<i32>} : memref<80xi32, #tpu.memory_space<vmem>>, vector<16xi32>,
    %shift_right_logical3A_264 = arith.constant 7 : i32
    %shift_right_logical3A_265 = vector.broadcast %shift_right_logical3A_264 : i32 to vector<16xi32>
    %shift_right_logical3A_266 = arith.shrui %get3A_263, %shift_right_logical3A_265 : vector<16xi32>
    %and3A_267 = arith.constant 127 : i32
    %and3A_268 = vector.broadcast %and3A_267 : i32 to vector<16xi32>
    %and3A_269 = arith.andi %get3A_263, %and3A_268 : vector<16xi32>
    tpu.vector_store_idx %arg13[%shift_right_logical3A_266, %and3A_269], %broadcast_in_dim3A_58 {add = true} : memref<80x128xf32, #tpu.memory_space<vmem>>[vector<16xi32>, vector<16xi32>], vector<16xf32>,
    %get3A_270 = arith.constant 1920 : i32
    %get3A_271 = tpu.memref_slice %arg8[%get3A_270] : memref<2000xi32, #tpu.memory_space<vmem>> -> memref<80xi32, #tpu.memory_space<vmem>>
    %get3A_272 = arith.constant 32 : index
    %get3A_273 = tpu.vector_load %get3A_271[%get3A_272] {strides = array<i32>} : memref<80xi32, #tpu.memory_space<vmem>>, vector<16xi32>,
    %shift_right_logical3A_274 = arith.constant 7 : i32
    %shift_right_logical3A_275 = vector.broadcast %shift_right_logical3A_274 : i32 to vector<16xi32>
    %shift_right_logical3A_276 = arith.shrui %get3A_273, %shift_right_logical3A_275 : vector<16xi32>
    %and3A_277 = arith.constant 127 : i32
    %and3A_278 = vector.broadcast %and3A_277 : i32 to vector<16xi32>
    %and3A_279 = arith.andi %get3A_273, %and3A_278 : vector<16xi32>
    tpu.vector_store_idx %arg13[%shift_right_logical3A_276, %and3A_279], %broadcast_in_dim3A_58 {add = true} : memref<80x128xf32, #tpu.memory_space<vmem>>[vector<16xi32>, vector<16xi32>], vector<16xf32>,
    %get3A_280 = arith.constant 1920 : i32
    %get3A_281 = tpu.memref_slice %arg8[%get3A_280] : memref<2000xi32, #tpu.memory_space<vmem>> -> memref<80xi32, #tpu.memory_space<vmem>>
    %get3A_282 = arith.constant 48 : index
    %get3A_283 = tpu.vector_load %get3A_281[%get3A_282] {strides = array<i32>} : memref<80xi32, #tpu.memory_space<vmem>>, vector<16xi32>,
    %shift_right_logical3A_284 = arith.constant 7 : i32
    %shift_right_logical3A_285 = vector.broadcast %shift_right_logical3A_284 : i32 to vector<16xi32>
    %shift_right_logical3A_286 = arith.shrui %get3A_283, %shift_right_logical3A_285 : vector<16xi32>
    %and3A_287 = arith.constant 127 : i32
    %and3A_288 = vector.broadcast %and3A_287 : i32 to vector<16xi32>
    %and3A_289 = arith.andi %get3A_283, %and3A_288 : vector<16xi32>
    tpu.vector_store_idx %arg13[%shift_right_logical3A_286, %and3A_289], %broadcast_in_dim3A_58 {add = true} : memref<80x128xf32, #tpu.memory_space<vmem>>[vector<16xi32>, vector<16xi32>], vector<16xf32>,
    %get3A_290 = arith.constant 1920 : i32
    %get3A_291 = tpu.memref_slice %arg8[%get3A_290] : memref<2000xi32, #tpu.memory_space<vmem>> -> memref<80xi32, #tpu.memory_space<vmem>>
    %get3A_292 = arith.constant 64 : index
    %get3A_293 = tpu.vector_load %get3A_291[%get3A_292] {strides = array<i32>} : memref<80xi32, #tpu.memory_space<vmem>>, vector<16xi32>,
    %shift_right_logical3A_294 = arith.constant 7 : i32
    %shift_right_logical3A_295 = vector.broadcast %shift_right_logical3A_294 : i32 to vector<16xi32>
    %shift_right_logical3A_296 = arith.shrui %get3A_293, %shift_right_logical3A_295 : vector<16xi32>
    %and3A_297 = arith.constant 127 : i32
    %and3A_298 = vector.broadcast %and3A_297 : i32 to vector<16xi32>
    %and3A_299 = arith.andi %get3A_293, %and3A_298 : vector<16xi32>
    tpu.vector_store_idx %arg13[%shift_right_logical3A_296, %and3A_299], %broadcast_in_dim3A_58 {add = true} : memref<80x128xf32, #tpu.memory_space<vmem>>[vector<16xi32>, vector<16xi32>], vector<16xf32>,
    %dma_wait3A_300 = arith.constant 0 : i32
    %dma_wait3A_301 = tpu.memref_slice %arg3[%dma_wait3A_300] : memref<320000xi32, #tpu.memory_space<hbm>> -> memref<2000xi32, #tpu.memory_space<hbm>>
    %dma_wait3A_302 = arith.constant 0 : i32
    %dma_wait3A_303 = tpu.memref_slice %arg3[%dma_wait3A_302] : memref<320000xi32, #tpu.memory_space<hbm>> -> memref<2000xi32, #tpu.memory_space<hbm>>
    tpu.wait_dma2 semaphore(%arg19 : memref<!tpu.dma_semaphore, #tpu.memory_space<semaphore_mem>>) src(%dma_wait3A_303 : memref<2000xi32, #tpu.memory_space<hbm>>) dst(%arg9 : memref<2000xi32, #tpu.memory_space<vmem>>)
    %dma_wait3A_304 = arith.constant 0 : i32
    %dma_wait3A_305 = tpu.memref_slice %arg4[%dma_wait3A_304] : memref<320000xi32, #tpu.memory_space<hbm>> -> memref<2000xi32, #tpu.memory_space<hbm>>
    %dma_wait3A_306 = arith.constant 0 : i32
    %dma_wait3A_307 = tpu.memref_slice %arg4[%dma_wait3A_306] : memref<320000xi32, #tpu.memory_space<hbm>> -> memref<2000xi32, #tpu.memory_space<hbm>>
    tpu.wait_dma2 semaphore(%arg20 : memref<!tpu.dma_semaphore, #tpu.memory_space<semaphore_mem>>) src(%dma_wait3A_307 : memref<2000xi32, #tpu.memory_space<hbm>>) dst(%arg10 : memref<2000xi32, #tpu.memory_space<vmem>>)
    %add3A_308 = arith.constant 8000 : i32
    %add3A_309 = arith.addi %mul3A_56, %add3A_308 : i32
    %dma_start3A_310 = tpu.memref_slice %arg3[%add3A_309] : memref<320000xi32, #tpu.memory_space<hbm>> -> memref<2000xi32, #tpu.memory_space<hbm>>
    %dma_start3A_311 = tpu.memref_slice %arg3[%add3A_309] : memref<320000xi32, #tpu.memory_space<hbm>> -> memref<2000xi32, #tpu.memory_space<hbm>>
    tpu.enqueue_dma source(%dma_start3A_311 : memref<2000xi32, #tpu.memory_space<hbm>>) target(%arg7 : memref<2000xi32, #tpu.memory_space<vmem>>) target_semaphore(%arg17 : memref<!tpu.dma_semaphore, #tpu.memory_space<semaphore_mem>>)
    %dma_start3A_312 = tpu.memref_slice %arg4[%add3A_309] : memref<320000xi32, #tpu.memory_space<hbm>> -> memref<2000xi32, #tpu.memory_space<hbm>>
    %dma_start3A_313 = tpu.memref_slice %arg4[%add3A_309] : memref<320000xi32, #tpu.memory_space<hbm>> -> memref<2000xi32, #tpu.memory_space<hbm>>
    tpu.enqueue_dma source(%dma_start3A_313 : memref<2000xi32, #tpu.memory_space<hbm>>) target(%arg8 : memref<2000xi32, #tpu.memory_space<vmem>>) target_semaphore(%arg18 : memref<!tpu.dma_semaphore, #tpu.memory_space<semaphore_mem>>)
    %dma_start3A_314 = arith.constant 0 : i32
    %dma_start3A_315 = tpu.memref_slice %arg9[%dma_start3A_314] : memref<2000xi32, #tpu.memory_space<vmem>> -> memref<80xi32, #tpu.memory_space<vmem>>
    %dma_start3A_316 = arith.constant 0 : i32
    %dma_start3A_317 = arith.constant 0 : i32
    %dma_start3A_318 = tpu.memref_slice %arg2[%dma_start3A_316, %dma_start3A_317] : memref<10000x128xf32, #tpu.memory_space<hbm>> -> memref<10000x128xf32, #tpu.memory_space<hbm>>
    tpu.enqueue_indirect_dma source(%dma_start3A_318 : memref<10000x128xf32, #tpu.memory_space<hbm>>) target(%arg11 : memref<80x128xf32, #tpu.memory_space<vmem>>) offsets(%dma_start3A_315 : memref<80xi32, #tpu.memory_space<vmem>>) semaphore(%arg15 : memref<!tpu.dma_semaphore, #tpu.memory_space<semaphore_mem>>)
    %scan3A_319 = arith.constant 0 : i32
    %scan3A_320 = arith.constant 0 : i32
    %scan3A_321 = arith.constant 12 : i32
    %scan3A_322 = arith.addi %scan3A_320, %scan3A_321 : i32
    %scan3A_323 = arith.constant 1 : i32
    scf.for %scan3A_463 = %scan3A_320 to %scan3A_322 step %scan3A_323  : i32 {
      %mul3A_464 = arith.constant 2 : i32
      %mul3A_465 = arith.muli %mul3A_464, %scan3A_463 : i32
      %add3A_466 = arith.constant 1 : i32
      %add3A_467 = arith.addi %mul3A_465, %add3A_466 : i32
      %mul3A_468 = arith.constant 80 : i32
      %mul3A_469 = arith.muli %add3A_467, %mul3A_468 : i32
      %dma_start3A_470 = tpu.memref_slice %arg9[%mul3A_469] : memref<2000xi32, #tpu.memory_space<vmem>> -> memref<80xi32, #tpu.memory_space<vmem>>
      %dma_start3A_471 = arith.constant 0 : i32
      %dma_start3A_472 = arith.constant 0 : i32
      %dma_start3A_473 = tpu.memref_slice %arg2[%dma_start3A_471, %dma_start3A_472] : memref<10000x128xf32, #tpu.memory_space<hbm>> -> memref<10000x128xf32, #tpu.memory_space<hbm>>
      tpu.enqueue_indirect_dma source(%dma_start3A_473 : memref<10000x128xf32, #tpu.memory_space<hbm>>) target(%arg12 : memref<80x128xf32, #tpu.memory_space<vmem>>) offsets(%dma_start3A_470 : memref<80xi32, #tpu.memory_space<vmem>>) semaphore(%arg16 : memref<!tpu.dma_semaphore, #tpu.memory_space<semaphore_mem>>)
      %mul3A_474 = arith.constant 80 : i32
      %mul3A_475 = arith.muli %mul3A_465, %mul3A_474 : i32
      %dma_wait3A_476 = tpu.memref_slice %arg9[%mul3A_475] : memref<2000xi32, #tpu.memory_space<vmem>> -> memref<80xi32, #tpu.memory_space<vmem>>
      %dma_wait3A_477 = arith.constant 0 : i32
      %dma_wait3A_478 = arith.constant 0 : i32
      %dma_wait3A_479 = tpu.memref_slice %arg2[%dma_wait3A_477, %dma_wait3A_478] : memref<10000x128xf32, #tpu.memory_space<hbm>> -> memref<10000x128xf32, #tpu.memory_space<hbm>>
      tpu.wait_indirect_dma semaphore(%arg15 : memref<!tpu.dma_semaphore, #tpu.memory_space<semaphore_mem>>) src(%dma_wait3A_479 : memref<10000x128xf32, #tpu.memory_space<hbm>>) dst(%arg11 : memref<80x128xf32, #tpu.memory_space<vmem>>)
      %mul3A_480 = arith.constant 80 : i32
      %mul3A_481 = arith.muli %mul3A_465, %mul3A_480 : i32
      %get3A_482 = tpu.memref_slice %arg10[%mul3A_481] : memref<2000xi32, #tpu.memory_space<vmem>> -> memref<80xi32, #tpu.memory_space<vmem>>
      %get3A_483 = arith.constant 0 : index
      %get3A_484 = tpu.vector_load %get3A_482[%get3A_483] {strides = array<i32>} : memref<80xi32, #tpu.memory_space<vmem>>, vector<16xi32>,
      %shift_right_logical3A_485 = arith.constant 7 : i32
      %shift_right_logical3A_486 = vector.broadcast %shift_right_logical3A_485 : i32 to vector<16xi32>
      %shift_right_logical3A_487 = arith.shrui %get3A_484, %shift_right_logical3A_486 : vector<16xi32>
      %and3A_488 = arith.constant 127 : i32
      %and3A_489 = vector.broadcast %and3A_488 : i32 to vector<16xi32>
      %and3A_490 = arith.andi %get3A_484, %and3A_489 : vector<16xi32>
      tpu.vector_store_idx %arg13[%shift_right_logical3A_487, %and3A_490], %broadcast_in_dim3A_58 {add = true} : memref<80x128xf32, #tpu.memory_space<vmem>>[vector<16xi32>, vector<16xi32>], vector<16xf32>,
      %get3A_491 = tpu.memref_slice %arg10[%mul3A_481] : memref<2000xi32, #tpu.memory_space<vmem>> -> memref<80xi32, #tpu.memory_space<vmem>>
      %get3A_492 = arith.constant 16 : index
      %get3A_493 = tpu.vector_load %get3A_491[%get3A_492] {strides = array<i32>} : memref<80xi32, #tpu.memory_space<vmem>>, vector<16xi32>,
      %shift_right_logical3A_494 = arith.constant 7 : i32
      %shift_right_logical3A_495 = vector.broadcast %shift_right_logical3A_494 : i32 to vector<16xi32>
      %shift_right_logical3A_496 = arith.shrui %get3A_493, %shift_right_logical3A_495 : vector<16xi32>
      %and3A_497 = arith.constant 127 : i32
      %and3A_498 = vector.broadcast %and3A_497 : i32 to vector<16xi32>
      %and3A_499 = arith.andi %get3A_493, %and3A_498 : vector<16xi32>
      tpu.vector_store_idx %arg13[%shift_right_logical3A_496, %and3A_499], %broadcast_in_dim3A_58 {add = true} : memref<80x128xf32, #tpu.memory_space<vmem>>[vector<16xi32>, vector<16xi32>], vector<16xf32>,
      %get3A_500 = tpu.memref_slice %arg10[%mul3A_481] : memref<2000xi32, #tpu.memory_space<vmem>> -> memref<80xi32, #tpu.memory_space<vmem>>
      %get3A_501 = arith.constant 32 : index
      %get3A_502 = tpu.vector_load %get3A_500[%get3A_501] {strides = array<i32>} : memref<80xi32, #tpu.memory_space<vmem>>, vector<16xi32>,
      %shift_right_logical3A_503 = arith.constant 7 : i32
      %shift_right_logical3A_504 = vector.broadcast %shift_right_logical3A_503 : i32 to vector<16xi32>
      %shift_right_logical3A_505 = arith.shrui %get3A_502, %shift_right_logical3A_504 : vector<16xi32>
      %and3A_506 = arith.constant 127 : i32
      %and3A_507 = vector.broadcast %and3A_506 : i32 to vector<16xi32>
      %and3A_508 = arith.andi %get3A_502, %and3A_507 : vector<16xi32>
      tpu.vector_store_idx %arg13[%shift_right_logical3A_505, %and3A_508], %broadcast_in_dim3A_58 {add = true} : memref<80x128xf32, #tpu.memory_space<vmem>>[vector<16xi32>, vector<16xi32>], vector<16xf32>,
      %get3A_509 = tpu.memref_slice %arg10[%mul3A_481] : memref<2000xi32, #tpu.memory_space<vmem>> -> memref<80xi32, #tpu.memory_space<vmem>>
      %get3A_510 = arith.constant 48 : index
      %get3A_511 = tpu.vector_load %get3A_509[%get3A_510] {strides = array<i32>} : memref<80xi32, #tpu.memory_space<vmem>>, vector<16xi32>,
      %shift_right_logical3A_512 = arith.constant 7 : i32
      %shift_right_logical3A_513 = vector.broadcast %shift_right_logical3A_512 : i32 to vector<16xi32>
      %shift_right_logical3A_514 = arith.shrui %get3A_511, %shift_right_logical3A_513 : vector<16xi32>
      %and3A_515 = arith.constant 127 : i32
      %and3A_516 = vector.broadcast %and3A_515 : i32 to vector<16xi32>
      %and3A_517 = arith.andi %get3A_511, %and3A_516 : vector<16xi32>
      tpu.vector_store_idx %arg13[%shift_right_logical3A_514, %and3A_517], %broadcast_in_dim3A_58 {add = true} : memref<80x128xf32, #tpu.memory_space<vmem>>[vector<16xi32>, vector<16xi32>], vector<16xf32>,
      %get3A_518 = tpu.memref_slice %arg10[%mul3A_481] : memref<2000xi32, #tpu.memory_space<vmem>> -> memref<80xi32, #tpu.memory_space<vmem>>
      %get3A_519 = arith.constant 64 : index
      %get3A_520 = tpu.vector_load %get3A_518[%get3A_519] {strides = array<i32>} : memref<80xi32, #tpu.memory_space<vmem>>, vector<16xi32>,
      %shift_right_logical3A_521 = arith.constant 7 : i32
      %shift_right_logical3A_522 = vector.broadcast %shift_right_logical3A_521 : i32 to vector<16xi32>
      %shift_right_logical3A_523 = arith.shrui %get3A_520, %shift_right_logical3A_522 : vector<16xi32>
      %and3A_524 = arith.constant 127 : i32
      %and3A_525 = vector.broadcast %and3A_524 : i32 to vector<16xi32>
      %and3A_526 = arith.andi %get3A_520, %and3A_525 : vector<16xi32>
      tpu.vector_store_idx %arg13[%shift_right_logical3A_523, %and3A_526], %broadcast_in_dim3A_58 {add = true} : memref<80x128xf32, #tpu.memory_space<vmem>>[vector<16xi32>, vector<16xi32>], vector<16xf32>,
      %add3A_527 = arith.constant 2 : i32
      %add3A_528 = arith.addi %mul3A_465, %add3A_527 : i32
      %mul3A_529 = arith.constant 80 : i32
      %mul3A_530 = arith.muli %add3A_528, %mul3A_529 : i32
      %dma_start3A_531 = tpu.memref_slice %arg9[%mul3A_530] : memref<2000xi32, #tpu.memory_space<vmem>> -> memref<80xi32, #tpu.memory_space<vmem>>
      %dma_start3A_532 = arith.constant 0 : i32
      %dma_start3A_533 = arith.constant 0 : i32
      %dma_start3A_534 = tpu.memref_slice %arg2[%dma_start3A_532, %dma_start3A_533] : memref<10000x128xf32, #tpu.memory_space<hbm>> -> memref<10000x128xf32, #tpu.memory_space<hbm>>
      tpu.enqueue_indirect_dma source(%dma_start3A_534 : memref<10000x128xf32, #tpu.memory_space<hbm>>) target(%arg11 : memref<80x128xf32, #tpu.memory_space<vmem>>) offsets(%dma_start3A_531 : memref<80xi32, #tpu.memory_space<vmem>>) semaphore(%arg15 : memref<!tpu.dma_semaphore, #tpu.memory_space<semaphore_mem>>)
      %dma_wait3A_535 = tpu.memref_slice %arg9[%mul3A_469] : memref<2000xi32, #tpu.memory_space<vmem>> -> memref<80xi32, #tpu.memory_space<vmem>>
      %dma_wait3A_536 = arith.constant 0 : i32
      %dma_wait3A_537 = arith.constant 0 : i32
      %dma_wait3A_538 = tpu.memref_slice %arg2[%dma_wait3A_536, %dma_wait3A_537] : memref<10000x128xf32, #tpu.memory_space<hbm>> -> memref<10000x128xf32, #tpu.memory_space<hbm>>
      tpu.wait_indirect_dma semaphore(%arg16 : memref<!tpu.dma_semaphore, #tpu.memory_space<semaphore_mem>>) src(%dma_wait3A_538 : memref<10000x128xf32, #tpu.memory_space<hbm>>) dst(%arg12 : memref<80x128xf32, #tpu.memory_space<vmem>>)
      %add3A_539 = arith.constant 1 : i32
      %add3A_540 = arith.addi %mul3A_465, %add3A_539 : i32
      %mul3A_541 = arith.constant 80 : i32
      %mul3A_542 = arith.muli %add3A_540, %mul3A_541 : i32
      %get3A_543 = tpu.memref_slice %arg10[%mul3A_542] : memref<2000xi32, #tpu.memory_space<vmem>> -> memref<80xi32, #tpu.memory_space<vmem>>
      %get3A_544 = arith.constant 0 : index
      %get3A_545 = tpu.vector_load %get3A_543[%get3A_544] {strides = array<i32>} : memref<80xi32, #tpu.memory_space<vmem>>, vector<16xi32>,
      %shift_right_logical3A_546 = arith.constant 7 : i32
      %shift_right_logical3A_547 = vector.broadcast %shift_right_logical3A_546 : i32 to vector<16xi32>
      %shift_right_logical3A_548 = arith.shrui %get3A_545, %shift_right_logical3A_547 : vector<16xi32>
      %and3A_549 = arith.constant 127 : i32
      %and3A_550 = vector.broadcast %and3A_549 : i32 to vector<16xi32>
      %and3A_551 = arith.andi %get3A_545, %and3A_550 : vector<16xi32>
      tpu.vector_store_idx %arg13[%shift_right_logical3A_548, %and3A_551], %broadcast_in_dim3A_58 {add = true} : memref<80x128xf32, #tpu.memory_space<vmem>>[vector<16xi32>, vector<16xi32>], vector<16xf32>,
      %get3A_552 = tpu.memref_slice %arg10[%mul3A_542] : memref<2000xi32, #tpu.memory_space<vmem>> -> memref<80xi32, #tpu.memory_space<vmem>>
      %get3A_553 = arith.constant 16 : index
      %get3A_554 = tpu.vector_load %get3A_552[%get3A_553] {strides = array<i32>} : memref<80xi32, #tpu.memory_space<vmem>>, vector<16xi32>,
      %shift_right_logical3A_555 = arith.constant 7 : i32
      %shift_right_logical3A_556 = vector.broadcast %shift_right_logical3A_555 : i32 to vector<16xi32>
      %shift_right_logical3A_557 = arith.shrui %get3A_554, %shift_right_logical3A_556 : vector<16xi32>
      %and3A_558 = arith.constant 127 : i32
      %and3A_559 = vector.broadcast %and3A_558 : i32 to vector<16xi32>
      %and3A_560 = arith.andi %get3A_554, %and3A_559 : vector<16xi32>
      tpu.vector_store_idx %arg13[%shift_right_logical3A_557, %and3A_560], %broadcast_in_dim3A_58 {add = true} : memref<80x128xf32, #tpu.memory_space<vmem>>[vector<16xi32>, vector<16xi32>], vector<16xf32>,
      %get3A_561 = tpu.memref_slice %arg10[%mul3A_542] : memref<2000xi32, #tpu.memory_space<vmem>> -> memref<80xi32, #tpu.memory_space<vmem>>
      %get3A_562 = arith.constant 32 : index
      %get3A_563 = tpu.vector_load %get3A_561[%get3A_562] {strides = array<i32>} : memref<80xi32, #tpu.memory_space<vmem>>, vector<16xi32>,
      %shift_right_logical3A_564 = arith.constant 7 : i32
      %shift_right_logical3A_565 = vector.broadcast %shift_right_logical3A_564 : i32 to vector<16xi32>
      %shift_right_logical3A_566 = arith.shrui %get3A_563, %shift_right_logical3A_565 : vector<16xi32>
      %and3A_567 = arith.constant 127 : i32
      %and3A_568 = vector.broadcast %and3A_567 : i32 to vector<16xi32>
      %and3A_569 = arith.andi %get3A_563, %and3A_568 : vector<16xi32>
      tpu.vector_store_idx %arg13[%shift_right_logical3A_566, %and3A_569], %broadcast_in_dim3A_58 {add = true} : memref<80x128xf32, #tpu.memory_space<vmem>>[vector<16xi32>, vector<16xi32>], vector<16xf32>,
      %get3A_570 = tpu.memref_slice %arg10[%mul3A_542] : memref<2000xi32, #tpu.memory_space<vmem>> -> memref<80xi32, #tpu.memory_space<vmem>>
      %get3A_571 = arith.constant 48 : index
      %get3A_572 = tpu.vector_load %get3A_570[%get3A_571] {strides = array<i32>} : memref<80xi32, #tpu.memory_space<vmem>>, vector<16xi32>,
      %shift_right_logical3A_573 = arith.constant 7 : i32
      %shift_right_logical3A_574 = vector.broadcast %shift_right_logical3A_573 : i32 to vector<16xi32>
      %shift_right_logical3A_575 = arith.shrui %get3A_572, %shift_right_logical3A_574 : vector<16xi32>
      %and3A_576 = arith.constant 127 : i32
      %and3A_577 = vector.broadcast %and3A_576 : i32 to vector<16xi32>
      %and3A_578 = arith.andi %get3A_572, %and3A_577 : vector<16xi32>
      tpu.vector_store_idx %arg13[%shift_right_logical3A_575, %and3A_578], %broadcast_in_dim3A_58 {add = true} : memref<80x128xf32, #tpu.memory_space<vmem>>[vector<16xi32>, vector<16xi32>], vector<16xf32>,
      %get3A_579 = tpu.memref_slice %arg10[%mul3A_542] : memref<2000xi32, #tpu.memory_space<vmem>> -> memref<80xi32, #tpu.memory_space<vmem>>
      %get3A_580 = arith.constant 64 : index
      %get3A_581 = tpu.vector_load %get3A_579[%get3A_580] {strides = array<i32>} : memref<80xi32, #tpu.memory_space<vmem>>, vector<16xi32>,
      %shift_right_logical3A_582 = arith.constant 7 : i32
      %shift_right_logical3A_583 = vector.broadcast %shift_right_logical3A_582 : i32 to vector<16xi32>
      %shift_right_logical3A_584 = arith.shrui %get3A_581, %shift_right_logical3A_583 : vector<16xi32>
      %and3A_585 = arith.constant 127 : i32
      %and3A_586 = vector.broadcast %and3A_585 : i32 to vector<16xi32>
      %and3A_587 = arith.andi %get3A_581, %and3A_586 : vector<16xi32>
      tpu.vector_store_idx %arg13[%shift_right_logical3A_584, %and3A_587], %broadcast_in_dim3A_58 {add = true} : memref<80x128xf32, #tpu.memory_space<vmem>>[vector<16xi32>, vector<16xi32>], vector<16xf32>,
    }
    %scan3A_324 = arith.constant 12 : i32
    %dma_wait3A_325 = arith.constant 1920 : i32
    %dma_wait3A_326 = tpu.memref_slice %arg9[%dma_wait3A_325] : memref<2000xi32, #tpu.memory_space<vmem>> -> memref<80xi32, #tpu.memory_space<vmem>>
    %dma_wait3A_327 = arith.constant 0 : i32
    %dma_wait3A_328 = arith.constant 0 : i32
    %dma_wait3A_329 = tpu.memref_slice %arg2[%dma_wait3A_327, %dma_wait3A_328] : memref<10000x128xf32, #tpu.memory_space<hbm>> -> memref<10000x128xf32, #tpu.memory_space<hbm>>
    tpu.wait_indirect_dma semaphore(%arg15 : memref<!tpu.dma_semaphore, #tpu.memory_space<semaphore_mem>>) src(%dma_wait3A_329 : memref<10000x128xf32, #tpu.memory_space<hbm>>) dst(%arg11 : memref<80x128xf32, #tpu.memory_space<vmem>>)
    %get3A_330 = arith.constant 1920 : i32
    %get3A_331 = tpu.memref_slice %arg10[%get3A_330] : memref<2000xi32, #tpu.memory_space<vmem>> -> memref<80xi32, #tpu.memory_space<vmem>>
    %get3A_332 = arith.constant 0 : index
    %get3A_333 = tpu.vector_load %get3A_331[%get3A_332] {strides = array<i32>} : memref<80xi32, #tpu.memory_space<vmem>>, vector<16xi32>,
    %shift_right_logical3A_334 = arith.constant 7 : i32
    %shift_right_logical3A_335 = vector.broadcast %shift_right_logical3A_334 : i32 to vector<16xi32>
    %shift_right_logical3A_336 = arith.shrui %get3A_333, %shift_right_logical3A_335 : vector<16xi32>
    %and3A_337 = arith.constant 127 : i32
    %and3A_338 = vector.broadcast %and3A_337 : i32 to vector<16xi32>
    %and3A_339 = arith.andi %get3A_333, %and3A_338 : vector<16xi32>
    tpu.vector_store_idx %arg13[%shift_right_logical3A_336, %and3A_339], %broadcast_in_dim3A_58 {add = true} : memref<80x128xf32, #tpu.memory_space<vmem>>[vector<16xi32>, vector<16xi32>], vector<16xf32>,
    %get3A_340 = arith.constant 1920 : i32
    %get3A_341 = tpu.memref_slice %arg10[%get3A_340] : memref<2000xi32, #tpu.memory_space<vmem>> -> memref<80xi32, #tpu.memory_space<vmem>>
    %get3A_342 = arith.constant 16 : index
    %get3A_343 = tpu.vector_load %get3A_341[%get3A_342] {strides = array<i32>} : memref<80xi32, #tpu.memory_space<vmem>>, vector<16xi32>,
    %shift_right_logical3A_344 = arith.constant 7 : i32
    %shift_right_logical3A_345 = vector.broadcast %shift_right_logical3A_344 : i32 to vector<16xi32>
    %shift_right_logical3A_346 = arith.shrui %get3A_343, %shift_right_logical3A_345 : vector<16xi32>
    %and3A_347 = arith.constant 127 : i32
    %and3A_348 = vector.broadcast %and3A_347 : i32 to vector<16xi32>
    %and3A_349 = arith.andi %get3A_343, %and3A_348 : vector<16xi32>
    tpu.vector_store_idx %arg13[%shift_right_logical3A_346, %and3A_349], %broadcast_in_dim3A_58 {add = true} : memref<80x128xf32, #tpu.memory_space<vmem>>[vector<16xi32>, vector<16xi32>], vector<16xf32>,
    %get3A_350 = arith.constant 1920 : i32
    %get3A_351 = tpu.memref_slice %arg10[%get3A_350] : memref<2000xi32, #tpu.memory_space<vmem>> -> memref<80xi32, #tpu.memory_space<vmem>>
    %get3A_352 = arith.constant 32 : index
    %get3A_353 = tpu.vector_load %get3A_351[%get3A_352] {strides = array<i32>} : memref<80xi32, #tpu.memory_space<vmem>>, vector<16xi32>,
    %shift_right_logical3A_354 = arith.constant 7 : i32
    %shift_right_logical3A_355 = vector.broadcast %shift_right_logical3A_354 : i32 to vector<16xi32>
    %shift_right_logical3A_356 = arith.shrui %get3A_353, %shift_right_logical3A_355 : vector<16xi32>
    %and3A_357 = arith.constant 127 : i32
    %and3A_358 = vector.broadcast %and3A_357 : i32 to vector<16xi32>
    %and3A_359 = arith.andi %get3A_353, %and3A_358 : vector<16xi32>
    tpu.vector_store_idx %arg13[%shift_right_logical3A_356, %and3A_359], %broadcast_in_dim3A_58 {add = true} : memref<80x128xf32, #tpu.memory_space<vmem>>[vector<16xi32>, vector<16xi32>], vector<16xf32>,
    %get3A_360 = arith.constant 1920 : i32
    %get3A_361 = tpu.memref_slice %arg10[%get3A_360] : memref<2000xi32, #tpu.memory_space<vmem>> -> memref<80xi32, #tpu.memory_space<vmem>>
    %get3A_362 = arith.constant 48 : index
    %get3A_363 = tpu.vector_load %get3A_361[%get3A_362] {strides = array<i32>} : memref<80xi32, #tpu.memory_space<vmem>>, vector<16xi32>,
    %shift_right_logical3A_364 = arith.constant 7 : i32
    %shift_right_logical3A_365 = vector.broadcast %shift_right_logical3A_364 : i32 to vector<16xi32>
    %shift_right_logical3A_366 = arith.shrui %get3A_363, %shift_right_logical3A_365 : vector<16xi32>
    %and3A_367 = arith.constant 127 : i32
    %and3A_368 = vector.broadcast %and3A_367 : i32 to vector<16xi32>
    %and3A_369 = arith.andi %get3A_363, %and3A_368 : vector<16xi32>
    tpu.vector_store_idx %arg13[%shift_right_logical3A_366, %and3A_369], %broadcast_in_dim3A_58 {add = true} : memref<80x128xf32, #tpu.memory_space<vmem>>[vector<16xi32>, vector<16xi32>], vector<16xf32>,
    %get3A_370 = arith.constant 1920 : i32
    %get3A_371 = tpu.memref_slice %arg10[%get3A_370] : memref<2000xi32, #tpu.memory_space<vmem>> -> memref<80xi32, #tpu.memory_space<vmem>>
    %get3A_372 = arith.constant 64 : index
    %get3A_373 = tpu.vector_load %get3A_371[%get3A_372] {strides = array<i32>} : memref<80xi32, #tpu.memory_space<vmem>>, vector<16xi32>,
    %shift_right_logical3A_374 = arith.constant 7 : i32
    %shift_right_logical3A_375 = vector.broadcast %shift_right_logical3A_374 : i32 to vector<16xi32>
    %shift_right_logical3A_376 = arith.shrui %get3A_373, %shift_right_logical3A_375 : vector<16xi32>
    %and3A_377 = arith.constant 127 : i32
    %and3A_378 = vector.broadcast %and3A_377 : i32 to vector<16xi32>
    %and3A_379 = arith.andi %get3A_373, %and3A_378 : vector<16xi32>
    tpu.vector_store_idx %arg13[%shift_right_logical3A_376, %and3A_379], %broadcast_in_dim3A_58 {add = true} : memref<80x128xf32, #tpu.memory_space<vmem>>[vector<16xi32>, vector<16xi32>], vector<16xf32>,
    %dma_wait3A_380 = arith.constant 0 : i32
    %dma_wait3A_381 = tpu.memref_slice %arg3[%dma_wait3A_380] : memref<320000xi32, #tpu.memory_space<hbm>> -> memref<2000xi32, #tpu.memory_space<hbm>>
    %dma_wait3A_382 = arith.constant 0 : i32
    %dma_wait3A_383 = tpu.memref_slice %arg3[%dma_wait3A_382] : memref<320000xi32, #tpu.memory_space<hbm>> -> memref<2000xi32, #tpu.memory_space<hbm>>
    tpu.wait_dma2 semaphore(%arg17 : memref<!tpu.dma_semaphore, #tpu.memory_space<semaphore_mem>>) src(%dma_wait3A_383 : memref<2000xi32, #tpu.memory_space<hbm>>) dst(%arg7 : memref<2000xi32, #tpu.memory_space<vmem>>)
    %dma_wait3A_384 = arith.constant 0 : i32
    %dma_wait3A_385 = tpu.memref_slice %arg4[%dma_wait3A_384] : memref<320000xi32, #tpu.memory_space<hbm>> -> memref<2000xi32, #tpu.memory_space<hbm>>
    %dma_wait3A_386 = arith.constant 0 : i32
    %dma_wait3A_387 = tpu.memref_slice %arg4[%dma_wait3A_386] : memref<320000xi32, #tpu.memory_space<hbm>> -> memref<2000xi32, #tpu.memory_space<hbm>>
    tpu.wait_dma2 semaphore(%arg18 : memref<!tpu.dma_semaphore, #tpu.memory_space<semaphore_mem>>) src(%dma_wait3A_387 : memref<2000xi32, #tpu.memory_space<hbm>>) dst(%arg8 : memref<2000xi32, #tpu.memory_space<vmem>>)
    %dma_start3A_388 = arith.constant 0 : i32
    %dma_start3A_389 = tpu.memref_slice %arg7[%dma_start3A_388] : memref<2000xi32, #tpu.memory_space<vmem>> -> memref<80xi32, #tpu.memory_space<vmem>>
    %dma_start3A_390 = arith.constant 0 : i32
    %dma_start3A_391 = arith.constant 0 : i32
    %dma_start3A_392 = tpu.memref_slice %arg2[%dma_start3A_390, %dma_start3A_391] : memref<10000x128xf32, #tpu.memory_space<hbm>> -> memref<10000x128xf32, #tpu.memory_space<hbm>>
    tpu.enqueue_indirect_dma source(%dma_start3A_392 : memref<10000x128xf32, #tpu.memory_space<hbm>>) target(%arg11 : memref<80x128xf32, #tpu.memory_space<vmem>>) offsets(%dma_start3A_389 : memref<80xi32, #tpu.memory_space<vmem>>) semaphore(%arg15 : memref<!tpu.dma_semaphore, #tpu.memory_space<semaphore_mem>>)
    %scan3A_393 = arith.constant 0 : i32
    %scan3A_394 = arith.constant 0 : i32
    %scan3A_395 = arith.constant 12 : i32
    %scan3A_396 = arith.addi %scan3A_394, %scan3A_395 : i32
    %scan3A_397 = arith.constant 1 : i32
    scf.for %scan3A_463 = %scan3A_394 to %scan3A_396 step %scan3A_397  : i32 {
      %mul3A_464 = arith.constant 2 : i32
      %mul3A_465 = arith.muli %mul3A_464, %scan3A_463 : i32
      %add3A_466 = arith.constant 1 : i32
      %add3A_467 = arith.addi %mul3A_465, %add3A_466 : i32
      %mul3A_468 = arith.constant 80 : i32
      %mul3A_469 = arith.muli %add3A_467, %mul3A_468 : i32
      %dma_start3A_470 = tpu.memref_slice %arg7[%mul3A_469] : memref<2000xi32, #tpu.memory_space<vmem>> -> memref<80xi32, #tpu.memory_space<vmem>>
      %dma_start3A_471 = arith.constant 0 : i32
      %dma_start3A_472 = arith.constant 0 : i32
      %dma_start3A_473 = tpu.memref_slice %arg2[%dma_start3A_471, %dma_start3A_472] : memref<10000x128xf32, #tpu.memory_space<hbm>> -> memref<10000x128xf32, #tpu.memory_space<hbm>>
      tpu.enqueue_indirect_dma source(%dma_start3A_473 : memref<10000x128xf32, #tpu.memory_space<hbm>>) target(%arg12 : memref<80x128xf32, #tpu.memory_space<vmem>>) offsets(%dma_start3A_470 : memref<80xi32, #tpu.memory_space<vmem>>) semaphore(%arg16 : memref<!tpu.dma_semaphore, #tpu.memory_space<semaphore_mem>>)
      %mul3A_474 = arith.constant 80 : i32
      %mul3A_475 = arith.muli %mul3A_465, %mul3A_474 : i32
      %dma_wait3A_476 = tpu.memref_slice %arg7[%mul3A_475] : memref<2000xi32, #tpu.memory_space<vmem>> -> memref<80xi32, #tpu.memory_space<vmem>>
      %dma_wait3A_477 = arith.constant 0 : i32
      %dma_wait3A_478 = arith.constant 0 : i32
      %dma_wait3A_479 = tpu.memref_slice %arg2[%dma_wait3A_477, %dma_wait3A_478] : memref<10000x128xf32, #tpu.memory_space<hbm>> -> memref<10000x128xf32, #tpu.memory_space<hbm>>
      tpu.wait_indirect_dma semaphore(%arg15 : memref<!tpu.dma_semaphore, #tpu.memory_space<semaphore_mem>>) src(%dma_wait3A_479 : memref<10000x128xf32, #tpu.memory_space<hbm>>) dst(%arg11 : memref<80x128xf32, #tpu.memory_space<vmem>>)
      %mul3A_480 = arith.constant 80 : i32
      %mul3A_481 = arith.muli %mul3A_465, %mul3A_480 : i32
      %get3A_482 = tpu.memref_slice %arg8[%mul3A_481] : memref<2000xi32, #tpu.memory_space<vmem>> -> memref<80xi32, #tpu.memory_space<vmem>>
      %get3A_483 = arith.constant 0 : index
      %get3A_484 = tpu.vector_load %get3A_482[%get3A_483] {strides = array<i32>} : memref<80xi32, #tpu.memory_space<vmem>>, vector<16xi32>,
      %shift_right_logical3A_485 = arith.constant 7 : i32
      %shift_right_logical3A_486 = vector.broadcast %shift_right_logical3A_485 : i32 to vector<16xi32>
      %shift_right_logical3A_487 = arith.shrui %get3A_484, %shift_right_logical3A_486 : vector<16xi32>
      %and3A_488 = arith.constant 127 : i32
      %and3A_489 = vector.broadcast %and3A_488 : i32 to vector<16xi32>
      %and3A_490 = arith.andi %get3A_484, %and3A_489 : vector<16xi32>
      tpu.vector_store_idx %arg13[%shift_right_logical3A_487, %and3A_490], %broadcast_in_dim3A_58 {add = true} : memref<80x128xf32, #tpu.memory_space<vmem>>[vector<16xi32>, vector<16xi32>], vector<16xf32>,
      %get3A_491 = tpu.memref_slice %arg8[%mul3A_481] : memref<2000xi32, #tpu.memory_space<vmem>> -> memref<80xi32, #tpu.memory_space<vmem>>
      %get3A_492 = arith.constant 16 : index
      %get3A_493 = tpu.vector_load %get3A_491[%get3A_492] {strides = array<i32>} : memref<80xi32, #tpu.memory_space<vmem>>, vector<16xi32>,
      %shift_right_logical3A_494 = arith.constant 7 : i32
      %shift_right_logical3A_495 = vector.broadcast %shift_right_logical3A_494 : i32 to vector<16xi32>
      %shift_right_logical3A_496 = arith.shrui %get3A_493, %shift_right_logical3A_495 : vector<16xi32>
      %and3A_497 = arith.constant 127 : i32
      %and3A_498 = vector.broadcast %and3A_497 : i32 to vector<16xi32>
      %and3A_499 = arith.andi %get3A_493, %and3A_498 : vector<16xi32>
      tpu.vector_store_idx %arg13[%shift_right_logical3A_496, %and3A_499], %broadcast_in_dim3A_58 {add = true} : memref<80x128xf32, #tpu.memory_space<vmem>>[vector<16xi32>, vector<16xi32>], vector<16xf32>,
      %get3A_500 = tpu.memref_slice %arg8[%mul3A_481] : memref<2000xi32, #tpu.memory_space<vmem>> -> memref<80xi32, #tpu.memory_space<vmem>>
      %get3A_501 = arith.constant 32 : index
      %get3A_502 = tpu.vector_load %get3A_500[%get3A_501] {strides = array<i32>} : memref<80xi32, #tpu.memory_space<vmem>>, vector<16xi32>,
      %shift_right_logical3A_503 = arith.constant 7 : i32
      %shift_right_logical3A_504 = vector.broadcast %shift_right_logical3A_503 : i32 to vector<16xi32>
      %shift_right_logical3A_505 = arith.shrui %get3A_502, %shift_right_logical3A_504 : vector<16xi32>
      %and3A_506 = arith.constant 127 : i32
      %and3A_507 = vector.broadcast %and3A_506 : i32 to vector<16xi32>
      %and3A_508 = arith.andi %get3A_502, %and3A_507 : vector<16xi32>
      tpu.vector_store_idx %arg13[%shift_right_logical3A_505, %and3A_508], %broadcast_in_dim3A_58 {add = true} : memref<80x128xf32, #tpu.memory_space<vmem>>[vector<16xi32>, vector<16xi32>], vector<16xf32>,
      %get3A_509 = tpu.memref_slice %arg8[%mul3A_481] : memref<2000xi32, #tpu.memory_space<vmem>> -> memref<80xi32, #tpu.memory_space<vmem>>
      %get3A_510 = arith.constant 48 : index
      %get3A_511 = tpu.vector_load %get3A_509[%get3A_510] {strides = array<i32>} : memref<80xi32, #tpu.memory_space<vmem>>, vector<16xi32>,
      %shift_right_logical3A_512 = arith.constant 7 : i32
      %shift_right_logical3A_513 = vector.broadcast %shift_right_logical3A_512 : i32 to vector<16xi32>
      %shift_right_logical3A_514 = arith.shrui %get3A_511, %shift_right_logical3A_513 : vector<16xi32>
      %and3A_515 = arith.constant 127 : i32
      %and3A_516 = vector.broadcast %and3A_515 : i32 to vector<16xi32>
      %and3A_517 = arith.andi %get3A_511, %and3A_516 : vector<16xi32>
      tpu.vector_store_idx %arg13[%shift_right_logical3A_514, %and3A_517], %broadcast_in_dim3A_58 {add = true} : memref<80x128xf32, #tpu.memory_space<vmem>>[vector<16xi32>, vector<16xi32>], vector<16xf32>,
      %get3A_518 = tpu.memref_slice %arg8[%mul3A_481] : memref<2000xi32, #tpu.memory_space<vmem>> -> memref<80xi32, #tpu.memory_space<vmem>>
      %get3A_519 = arith.constant 64 : index
      %get3A_520 = tpu.vector_load %get3A_518[%get3A_519] {strides = array<i32>} : memref<80xi32, #tpu.memory_space<vmem>>, vector<16xi32>,
      %shift_right_logical3A_521 = arith.constant 7 : i32
      %shift_right_logical3A_522 = vector.broadcast %shift_right_logical3A_521 : i32 to vector<16xi32>
      %shift_right_logical3A_523 = arith.shrui %get3A_520, %shift_right_logical3A_522 : vector<16xi32>
      %and3A_524 = arith.constant 127 : i32
      %and3A_525 = vector.broadcast %and3A_524 : i32 to vector<16xi32>
      %and3A_526 = arith.andi %get3A_520, %and3A_525 : vector<16xi32>
      tpu.vector_store_idx %arg13[%shift_right_logical3A_523, %and3A_526], %broadcast_in_dim3A_58 {add = true} : memref<80x128xf32, #tpu.memory_space<vmem>>[vector<16xi32>, vector<16xi32>], vector<16xf32>,
      %add3A_527 = arith.constant 2 : i32
      %add3A_528 = arith.addi %mul3A_465, %add3A_527 : i32
      %mul3A_529 = arith.constant 80 : i32
      %mul3A_530 = arith.muli %add3A_528, %mul3A_529 : i32
      %dma_start3A_531 = tpu.memref_slice %arg7[%mul3A_530] : memref<2000xi32, #tpu.memory_space<vmem>> -> memref<80xi32, #tpu.memory_space<vmem>>
      %dma_start3A_532 = arith.constant 0 : i32
      %dma_start3A_533 = arith.constant 0 : i32
      %dma_start3A_534 = tpu.memref_slice %arg2[%dma_start3A_532, %dma_start3A_533] : memref<10000x128xf32, #tpu.memory_space<hbm>> -> memref<10000x128xf32, #tpu.memory_space<hbm>>
      tpu.enqueue_indirect_dma source(%dma_start3A_534 : memref<10000x128xf32, #tpu.memory_space<hbm>>) target(%arg11 : memref<80x128xf32, #tpu.memory_space<vmem>>) offsets(%dma_start3A_531 : memref<80xi32, #tpu.memory_space<vmem>>) semaphore(%arg15 : memref<!tpu.dma_semaphore, #tpu.memory_space<semaphore_mem>>)
      %dma_wait3A_535 = tpu.memref_slice %arg7[%mul3A_469] : memref<2000xi32, #tpu.memory_space<vmem>> -> memref<80xi32, #tpu.memory_space<vmem>>
      %dma_wait3A_536 = arith.constant 0 : i32
      %dma_wait3A_537 = arith.constant 0 : i32
      %dma_wait3A_538 = tpu.memref_slice %arg2[%dma_wait3A_536, %dma_wait3A_537] : memref<10000x128xf32, #tpu.memory_space<hbm>> -> memref<10000x128xf32, #tpu.memory_space<hbm>>
      tpu.wait_indirect_dma semaphore(%arg16 : memref<!tpu.dma_semaphore, #tpu.memory_space<semaphore_mem>>) src(%dma_wait3A_538 : memref<10000x128xf32, #tpu.memory_space<hbm>>) dst(%arg12 : memref<80x128xf32, #tpu.memory_space<vmem>>)
      %add3A_539 = arith.constant 1 : i32
      %add3A_540 = arith.addi %mul3A_465, %add3A_539 : i32
      %mul3A_541 = arith.constant 80 : i32
      %mul3A_542 = arith.muli %add3A_540, %mul3A_541 : i32
      %get3A_543 = tpu.memref_slice %arg8[%mul3A_542] : memref<2000xi32, #tpu.memory_space<vmem>> -> memref<80xi32, #tpu.memory_space<vmem>>
      %get3A_544 = arith.constant 0 : index
      %get3A_545 = tpu.vector_load %get3A_543[%get3A_544] {strides = array<i32>} : memref<80xi32, #tpu.memory_space<vmem>>, vector<16xi32>,
      %shift_right_logical3A_546 = arith.constant 7 : i32
      %shift_right_logical3A_547 = vector.broadcast %shift_right_logical3A_546 : i32 to vector<16xi32>
      %shift_right_logical3A_548 = arith.shrui %get3A_545, %shift_right_logical3A_547 : vector<16xi32>
      %and3A_549 = arith.constant 127 : i32
      %and3A_550 = vector.broadcast %and3A_549 : i32 to vector<16xi32>
      %and3A_551 = arith.andi %get3A_545, %and3A_550 : vector<16xi32>
      tpu.vector_store_idx %arg13[%shift_right_logical3A_548, %and3A_551], %broadcast_in_dim3A_58 {add = true} : memref<80x128xf32, #tpu.memory_space<vmem>>[vector<16xi32>, vector<16xi32>], vector<16xf32>,
      %get3A_552 = tpu.memref_slice %arg8[%mul3A_542] : memref<2000xi32, #tpu.memory_space<vmem>> -> memref<80xi32, #tpu.memory_space<vmem>>
      %get3A_553 = arith.constant 16 : index
      %get3A_554 = tpu.vector_load %get3A_552[%get3A_553] {strides = array<i32>} : memref<80xi32, #tpu.memory_space<vmem>>, vector<16xi32>,
      %shift_right_logical3A_555 = arith.constant 7 : i32
      %shift_right_logical3A_556 = vector.broadcast %shift_right_logical3A_555 : i32 to vector<16xi32>
      %shift_right_logical3A_557 = arith.shrui %get3A_554, %shift_right_logical3A_556 : vector<16xi32>
      %and3A_558 = arith.constant 127 : i32
      %and3A_559 = vector.broadcast %and3A_558 : i32 to vector<16xi32>
      %and3A_560 = arith.andi %get3A_554, %and3A_559 : vector<16xi32>
      tpu.vector_store_idx %arg13[%shift_right_logical3A_557, %and3A_560], %broadcast_in_dim3A_58 {add = true} : memref<80x128xf32, #tpu.memory_space<vmem>>[vector<16xi32>, vector<16xi32>], vector<16xf32>,
      %get3A_561 = tpu.memref_slice %arg8[%mul3A_542] : memref<2000xi32, #tpu.memory_space<vmem>> -> memref<80xi32, #tpu.memory_space<vmem>>
      %get3A_562 = arith.constant 32 : index
      %get3A_563 = tpu.vector_load %get3A_561[%get3A_562] {strides = array<i32>} : memref<80xi32, #tpu.memory_space<vmem>>, vector<16xi32>,
      %shift_right_logical3A_564 = arith.constant 7 : i32
      %shift_right_logical3A_565 = vector.broadcast %shift_right_logical3A_564 : i32 to vector<16xi32>
      %shift_right_logical3A_566 = arith.shrui %get3A_563, %shift_right_logical3A_565 : vector<16xi32>
      %and3A_567 = arith.constant 127 : i32
      %and3A_568 = vector.broadcast %and3A_567 : i32 to vector<16xi32>
      %and3A_569 = arith.andi %get3A_563, %and3A_568 : vector<16xi32>
      tpu.vector_store_idx %arg13[%shift_right_logical3A_566, %and3A_569], %broadcast_in_dim3A_58 {add = true} : memref<80x128xf32, #tpu.memory_space<vmem>>[vector<16xi32>, vector<16xi32>], vector<16xf32>,
      %get3A_570 = tpu.memref_slice %arg8[%mul3A_542] : memref<2000xi32, #tpu.memory_space<vmem>> -> memref<80xi32, #tpu.memory_space<vmem>>
      %get3A_571 = arith.constant 48 : index
      %get3A_572 = tpu.vector_load %get3A_570[%get3A_571] {strides = array<i32>} : memref<80xi32, #tpu.memory_space<vmem>>, vector<16xi32>,
      %shift_right_logical3A_573 = arith.constant 7 : i32
      %shift_right_logical3A_574 = vector.broadcast %shift_right_logical3A_573 : i32 to vector<16xi32>
      %shift_right_logical3A_575 = arith.shrui %get3A_572, %shift_right_logical3A_574 : vector<16xi32>
      %and3A_576 = arith.constant 127 : i32
      %and3A_577 = vector.broadcast %and3A_576 : i32 to vector<16xi32>
      %and3A_578 = arith.andi %get3A_572, %and3A_577 : vector<16xi32>
      tpu.vector_store_idx %arg13[%shift_right_logical3A_575, %and3A_578], %broadcast_in_dim3A_58 {add = true} : memref<80x128xf32, #tpu.memory_space<vmem>>[vector<16xi32>, vector<16xi32>], vector<16xf32>,
      %get3A_579 = tpu.memref_slice %arg8[%mul3A_542] : memref<2000xi32, #tpu.memory_space<vmem>> -> memref<80xi32, #tpu.memory_space<vmem>>
      %get3A_580 = arith.constant 64 : index
      %get3A_581 = tpu.vector_load %get3A_579[%get3A_580] {strides = array<i32>} : memref<80xi32, #tpu.memory_space<vmem>>, vector<16xi32>,
      %shift_right_logical3A_582 = arith.constant 7 : i32
      %shift_right_logical3A_583 = vector.broadcast %shift_right_logical3A_582 : i32 to vector<16xi32>
      %shift_right_logical3A_584 = arith.shrui %get3A_581, %shift_right_logical3A_583 : vector<16xi32>
      %and3A_585 = arith.constant 127 : i32
      %and3A_586 = vector.broadcast %and3A_585 : i32 to vector<16xi32>
      %and3A_587 = arith.andi %get3A_581, %and3A_586 : vector<16xi32>
      tpu.vector_store_idx %arg13[%shift_right_logical3A_584, %and3A_587], %broadcast_in_dim3A_58 {add = true} : memref<80x128xf32, #tpu.memory_space<vmem>>[vector<16xi32>, vector<16xi32>], vector<16xf32>,
    }
    %scan3A_398 = arith.constant 12 : i32
    %dma_wait3A_399 = arith.constant 1920 : i32
    %dma_wait3A_400 = tpu.memref_slice %arg7[%dma_wait3A_399] : memref<2000xi32, #tpu.memory_space<vmem>> -> memref<80xi32, #tpu.memory_space<vmem>>
    %dma_wait3A_401 = arith.constant 0 : i32
    %dma_wait3A_402 = arith.constant 0 : i32
    %dma_wait3A_403 = tpu.memref_slice %arg2[%dma_wait3A_401, %dma_wait3A_402] : memref<10000x128xf32, #tpu.memory_space<hbm>> -> memref<10000x128xf32, #tpu.memory_space<hbm>>
    tpu.wait_indirect_dma semaphore(%arg15 : memref<!tpu.dma_semaphore, #tpu.memory_space<semaphore_mem>>) src(%dma_wait3A_403 : memref<10000x128xf32, #tpu.memory_space<hbm>>) dst(%arg11 : memref<80x128xf32, #tpu.memory_space<vmem>>)
    %get3A_404 = arith.constant 1920 : i32
    %get3A_405 = tpu.memref_slice %arg8[%get3A_404] : memref<2000xi32, #tpu.memory_space<vmem>> -> memref<80xi32, #tpu.memory_space<vmem>>
    %get3A_406 = arith.constant 0 : index
    %get3A_407 = tpu.vector_load %get3A_405[%get3A_406] {strides = array<i32>} : memref<80xi32, #tpu.memory_space<vmem>>, vector<16xi32>,
    %shift_right_logical3A_408 = arith.constant 7 : i32
    %shift_right_logical3A_409 = vector.broadcast %shift_right_logical3A_408 : i32 to vector<16xi32>
    %shift_right_logical3A_410 = arith.shrui %get3A_407, %shift_right_logical3A_409 : vector<16xi32>
    %and3A_411 = arith.constant 127 : i32
    %and3A_412 = vector.broadcast %and3A_411 : i32 to vector<16xi32>
    %and3A_413 = arith.andi %get3A_407, %and3A_412 : vector<16xi32>
    tpu.vector_store_idx %arg13[%shift_right_logical3A_410, %and3A_413], %broadcast_in_dim3A_58 {add = true} : memref<80x128xf32, #tpu.memory_space<vmem>>[vector<16xi32>, vector<16xi32>], vector<16xf32>,
    %get3A_414 = arith.constant 1920 : i32
    %get3A_415 = tpu.memref_slice %arg8[%get3A_414] : memref<2000xi32, #tpu.memory_space<vmem>> -> memref<80xi32, #tpu.memory_space<vmem>>
    %get3A_416 = arith.constant 16 : index
    %get3A_417 = tpu.vector_load %get3A_415[%get3A_416] {strides = array<i32>} : memref<80xi32, #tpu.memory_space<vmem>>, vector<16xi32>,
    %shift_right_logical3A_418 = arith.constant 7 : i32
    %shift_right_logical3A_419 = vector.broadcast %shift_right_logical3A_418 : i32 to vector<16xi32>
    %shift_right_logical3A_420 = arith.shrui %get3A_417, %shift_right_logical3A_419 : vector<16xi32>
    %and3A_421 = arith.constant 127 : i32
    %and3A_422 = vector.broadcast %and3A_421 : i32 to vector<16xi32>
    %and3A_423 = arith.andi %get3A_417, %and3A_422 : vector<16xi32>
    tpu.vector_store_idx %arg13[%shift_right_logical3A_420, %and3A_423], %broadcast_in_dim3A_58 {add = true} : memref<80x128xf32, #tpu.memory_space<vmem>>[vector<16xi32>, vector<16xi32>], vector<16xf32>,
    %get3A_424 = arith.constant 1920 : i32
    %get3A_425 = tpu.memref_slice %arg8[%get3A_424] : memref<2000xi32, #tpu.memory_space<vmem>> -> memref<80xi32, #tpu.memory_space<vmem>>
    %get3A_426 = arith.constant 32 : index
    %get3A_427 = tpu.vector_load %get3A_425[%get3A_426] {strides = array<i32>} : memref<80xi32, #tpu.memory_space<vmem>>, vector<16xi32>,
    %shift_right_logical3A_428 = arith.constant 7 : i32
    %shift_right_logical3A_429 = vector.broadcast %shift_right_logical3A_428 : i32 to vector<16xi32>
    %shift_right_logical3A_430 = arith.shrui %get3A_427, %shift_right_logical3A_429 : vector<16xi32>
    %and3A_431 = arith.constant 127 : i32
    %and3A_432 = vector.broadcast %and3A_431 : i32 to vector<16xi32>
    %and3A_433 = arith.andi %get3A_427, %and3A_432 : vector<16xi32>
    tpu.vector_store_idx %arg13[%shift_right_logical3A_430, %and3A_433], %broadcast_in_dim3A_58 {add = true} : memref<80x128xf32, #tpu.memory_space<vmem>>[vector<16xi32>, vector<16xi32>], vector<16xf32>,
    %get3A_434 = arith.constant 1920 : i32
    %get3A_435 = tpu.memref_slice %arg8[%get3A_434] : memref<2000xi32, #tpu.memory_space<vmem>> -> memref<80xi32, #tpu.memory_space<vmem>>
    %get3A_436 = arith.constant 48 : index
    %get3A_437 = tpu.vector_load %get3A_435[%get3A_436] {strides = array<i32>} : memref<80xi32, #tpu.memory_space<vmem>>, vector<16xi32>,
    %shift_right_logical3A_438 = arith.constant 7 : i32
    %shift_right_logical3A_439 = vector.broadcast %shift_right_logical3A_438 : i32 to vector<16xi32>
    %shift_right_logical3A_440 = arith.shrui %get3A_437, %shift_right_logical3A_439 : vector<16xi32>
    %and3A_441 = arith.constant 127 : i32
    %and3A_442 = vector.broadcast %and3A_441 : i32 to vector<16xi32>
    %and3A_443 = arith.andi %get3A_437, %and3A_442 : vector<16xi32>
    tpu.vector_store_idx %arg13[%shift_right_logical3A_440, %and3A_443], %broadcast_in_dim3A_58 {add = true} : memref<80x128xf32, #tpu.memory_space<vmem>>[vector<16xi32>, vector<16xi32>], vector<16xf32>,
    %get3A_444 = arith.constant 1920 : i32
    %get3A_445 = tpu.memref_slice %arg8[%get3A_444] : memref<2000xi32, #tpu.memory_space<vmem>> -> memref<80xi32, #tpu.memory_space<vmem>>
    %get3A_446 = arith.constant 64 : index
    %get3A_447 = tpu.vector_load %get3A_445[%get3A_446] {strides = array<i32>} : memref<80xi32, #tpu.memory_space<vmem>>, vector<16xi32>,
    %shift_right_logical3A_448 = arith.constant 7 : i32
    %shift_right_logical3A_449 = vector.broadcast %shift_right_logical3A_448 : i32 to vector<16xi32>
    %shift_right_logical3A_450 = arith.shrui %get3A_447, %shift_right_logical3A_449 : vector<16xi32>
    %and3A_451 = arith.constant 127 : i32
    %and3A_452 = vector.broadcast %and3A_451 : i32 to vector<16xi32>
    %and3A_453 = arith.andi %get3A_447, %and3A_452 : vector<16xi32>
    tpu.vector_store_idx %arg13[%shift_right_logical3A_450, %and3A_453], %broadcast_in_dim3A_58 {add = true} : memref<80x128xf32, #tpu.memory_space<vmem>>[vector<16xi32>, vector<16xi32>], vector<16xf32>,
    "tpu.region"() ({
      %run_scoped3A = tpu.sem_alloc : memref<!tpu.dma_semaphore, #tpu.memory_space<semaphore_mem>>
      %dma_start3A_463 = arith.constant 0 : i32
      %dma_start3A_464 = arith.constant 0 : i32
      %dma_start3A_465 = tpu.memref_slice %arg22[%dma_start3A_463, %dma_start3A_464] : memref<80x128xf32, #tpu.memory_space<vmem_shared>> -> memref<80x128xf32, #tpu.memory_space<vmem_shared>>
      tpu.enqueue_indirect_dma source(%arg13 : memref<80x128xf32, #tpu.memory_space<vmem>>) target(%dma_start3A_465 : memref<80x128xf32, #tpu.memory_space<vmem_shared>>) offsets(%arg14 : memref<80xi32, #tpu.memory_space<vmem>>) semaphore(%run_scoped3A : memref<!tpu.dma_semaphore, #tpu.memory_space<semaphore_mem>>) {add = true}
      %dma_wait3A_466 = arith.constant 0 : i32
      %dma_wait3A_467 = arith.constant 0 : i32
      %dma_wait3A_468 = tpu.memref_slice %arg22[%dma_wait3A_466, %dma_wait3A_467] : memref<80x128xf32, #tpu.memory_space<vmem_shared>> -> memref<80x128xf32, #tpu.memory_space<vmem_shared>>
      tpu.wait_indirect_dma semaphore(%run_scoped3A : memref<!tpu.dma_semaphore, #tpu.memory_space<semaphore_mem>>) src(%arg13 : memref<80x128xf32, #tpu.memory_space<vmem>>) dst(%dma_wait3A_468 : memref<80x128xf32, #tpu.memory_space<vmem_shared>>)
      tpu.yield
    }) : () -> ()
    %barrier3A_454 = arith.constant 0 : index
    tpu.barrier barrier_id(%barrier3A_454)
    %mul3A_455 = arith.constant 10240 : i32
    %mul3A_456 = arith.muli %arg0, %mul3A_455 : i32
    %add3A_457 = arith.addi %mul3A_456, %mul3A_8 : i32
    "tpu.region"() ({
      %run_scoped3A = tpu.sem_alloc : memref<!tpu.dma_semaphore, #tpu.memory_space<semaphore_mem>>
      %dma_start3A_463 = arith.constant 0 : i32
      %dma_start3A_464 = tpu.memref_slice %arg5[%add3A_457, %dma_start3A_463] : memref<20480x128xf32, #tpu.memory_space<hbm>> -> memref<640x128xf32, #tpu.memory_space<hbm>>
      %dma_start3A_465 = arith.constant 0 : i32
      %dma_start3A_466 = tpu.memref_slice %arg21[%mul3A_8, %dma_start3A_465] : memref<10240x128xf32, #tpu.memory_space<vmem_shared>> -> memref<640x128xf32, #tpu.memory_space<vmem_shared>>
      tpu.enqueue_dma source(%dma_start3A_466 : memref<640x128xf32, #tpu.memory_space<vmem_shared>>) target(%dma_start3A_464 : memref<640x128xf32, #tpu.memory_space<hbm>>) target_semaphore(%run_scoped3A : memref<!tpu.dma_semaphore, #tpu.memory_space<semaphore_mem>>)
      %dma_wait3A_467 = arith.constant 0 : i32
      %dma_wait3A_468 = tpu.memref_slice %arg5[%add3A_457, %dma_wait3A_467] : memref<20480x128xf32, #tpu.memory_space<hbm>> -> memref<640x128xf32, #tpu.memory_space<hbm>>
      %dma_wait3A_469 = arith.constant 0 : i32
      %dma_wait3A_470 = tpu.memref_slice %arg21[%mul3A_8, %dma_wait3A_469] : memref<10240x128xf32, #tpu.memory_space<vmem_shared>> -> memref<640x128xf32, #tpu.memory_space<vmem_shared>>
      tpu.wait_dma2 semaphore(%run_scoped3A : memref<!tpu.dma_semaphore, #tpu.memory_space<semaphore_mem>>) src(%dma_wait3A_470 : memref<640x128xf32, #tpu.memory_space<vmem_shared>>) dst(%dma_wait3A_468 : memref<640x128xf32, #tpu.memory_space<hbm>>)
      tpu.yield
    }) : () -> ()
    %lt3A_458 = arith.constant 10 : i32
    %lt3A_459 = arith.cmpi slt, %arg1, %lt3A_458 : i32
    %convert_element_type3A_460 = arith.extui %lt3A_459 : i1 to i32
    %cond3A_461 = arith.constant 0 : i32
    %cond3A_462 = arith.cmpi ne, %convert_element_type3A_460, %cond3A_461 : i32
    scf.if %cond3A_462 {
      %mul3A_463 = arith.constant 8 : i32
      %mul3A_464 = arith.muli %arg1, %mul3A_463 : i32
      %mul3A_465 = arith.constant 80 : i32
      %mul3A_466 = arith.muli %arg0, %mul3A_465 : i32
      %mul3A_467 = arith.constant 8 : i32
      %mul3A_468 = arith.muli %arg1, %mul3A_467 : i32
      %add3A_469 = arith.addi %mul3A_466, %mul3A_468 : i32
      "tpu.region"() ({
        %run_scoped3A = tpu.sem_alloc : memref<!tpu.dma_semaphore, #tpu.memory_space<semaphore_mem>>
        %dma_start3A_470 = arith.constant 0 : i32
        %dma_start3A_471 = tpu.memref_slice %arg6[%add3A_469, %dma_start3A_470] : memref<160x128xf32, #tpu.memory_space<hbm>> -> memref<8x128xf32, #tpu.memory_space<hbm>>
        %dma_start3A_472 = arith.constant 0 : i32
        %dma_start3A_473 = tpu.memref_slice %arg22[%mul3A_464, %dma_start3A_472] : memref<80x128xf32, #tpu.memory_space<vmem_shared>> -> memref<8x128xf32, #tpu.memory_space<vmem_shared>>
        tpu.enqueue_dma source(%dma_start3A_473 : memref<8x128xf32, #tpu.memory_space<vmem_shared>>) target(%dma_start3A_471 : memref<8x128xf32, #tpu.memory_space<hbm>>) target_semaphore(%run_scoped3A : memref<!tpu.dma_semaphore, #tpu.memory_space<semaphore_mem>>)
        %dma_wait3A_474 = arith.constant 0 : i32
        %dma_wait3A_475 = tpu.memref_slice %arg6[%add3A_469, %dma_wait3A_474] : memref<160x128xf32, #tpu.memory_space<hbm>> -> memref<8x128xf32, #tpu.memory_space<hbm>>
        %dma_wait3A_476 = arith.constant 0 : i32
        %dma_wait3A_477 = tpu.memref_slice %arg22[%mul3A_464, %dma_wait3A_476] : memref<80x128xf32, #tpu.memory_space<vmem_shared>> -> memref<8x128xf32, #tpu.memory_space<vmem_shared>>
        tpu.wait_dma2 semaphore(%run_scoped3A : memref<!tpu.dma_semaphore, #tpu.memory_space<semaphore_mem>>) src(%dma_wait3A_477 : memref<8x128xf32, #tpu.memory_space<vmem_shared>>) dst(%dma_wait3A_475 : memref<8x128xf32, #tpu.memory_space<hbm>>)
        tpu.yield
      }) : () -> ()
    } else {
    }
    return
  }
}

module attributes {stable_mosaic.version = 14 : i64} {
  func.func @_tc_body(%arg0: i32, %arg1: memref<2000x128xf32, #tpu.memory_space<vmem>>, %arg2: memref<2x2000x128xf32, #tpu.memory_space<vmem>>, %arg3: memref<2000x2xf32, #tpu.memory_space<vmem>>, %arg4: memref<128x128xf32, #tpu.memory_space<vmem>>, %arg5: memref<1x128xf32, #tpu.memory_space<vmem>>, %arg6: memref<2000x128xf32, #tpu.memory_space<vmem>>) attributes {dimension_semantics = [#tpu.dimension_semantics<arbitrary>], iteration_bounds = array<i64: 5>, scalar_prefetch = 0 : i64, scratch_operands = 0 : i64, tpu.core_type = #tpu.core_type<tc>, window_params = [{transform_indices = @transform_0, window_bounds = array<i64: 2000, 128>}, {transform_indices = @transform_1, window_bounds = array<i64: 2, 2000, 128>}, {transform_indices = @transform_2, window_bounds = array<i64: 2000, 2>}, {pipeline_mode = #tpu.pipeline_mode<synchronous>, transform_indices = @transform_3, window_bounds = array<i64: 128, 128>}, {pipeline_mode = #tpu.pipeline_mode<synchronous>, transform_indices = @transform_4, window_bounds = array<i64: 1, 128>}, {transform_indices = @transform_5, window_bounds = array<i64: 2000, 128>}]} {
    %get3A = arith.constant 0 : index
    %get3A_0 = arith.constant 0 : index
    %get3A_1 = arith.constant 0 : index
    %get3A_2 = vector.load %arg2[%get3A, %get3A_0, %get3A_1] : memref<2x2000x128xf32, #tpu.memory_space<vmem>>, vector<1x2000x128xf32>
    %get3A_3 = vector.shape_cast %get3A_2 : vector<1x2000x128xf32> to vector<2000x128xf32>
    %get3A_4 = arith.constant 1 : index
    %get3A_5 = arith.constant 0 : index
    %get3A_6 = arith.constant 0 : index
    %get3A_7 = vector.load %arg2[%get3A_4, %get3A_5, %get3A_6] : memref<2x2000x128xf32, #tpu.memory_space<vmem>>, vector<1x2000x128xf32>
    %get3A_8 = vector.shape_cast %get3A_7 : vector<1x2000x128xf32> to vector<2000x128xf32>
    %add3A = arith.addf %get3A_3, %get3A_8 : vector<2000x128xf32>
    %get3A_9 = arith.constant 0 : index
    %get3A_10 = arith.constant 0 : index
    %get3A_11 = vector.load %arg3[%get3A_9, %get3A_10] : memref<2000x2xf32, #tpu.memory_space<vmem>>, vector<2000x1xf32>
    %get3A_12 = arith.constant 0 : index
    %get3A_13 = arith.constant 1 : index
    %get3A_14 = vector.load %arg3[%get3A_12, %get3A_13] : memref<2000x2xf32, #tpu.memory_space<vmem>>, vector<2000x1xf32>
    %add3A_15 = arith.addf %get3A_11, %get3A_14 : vector<2000x1xf32>
    %get3A_16 = arith.constant 0 : index
    %get3A_17 = arith.constant 0 : index
    %get3A_18 = vector.load %arg1[%get3A_16, %get3A_17] : memref<2000x128xf32, #tpu.memory_space<vmem>>, vector<2000x128xf32>
    %add3A_19 = arith.addf %get3A_18, %add3A : vector<2000x128xf32>
    %add3A_20 = arith.constant 1.000000e+00 : f32
    %add3A_21 = vector.broadcast %add3A_20 : f32 to vector<2000x1xf32>
    %add3A_22 = arith.addf %add3A_15, %add3A_21 : vector<2000x1xf32>
    %rsqrt3A = math.rsqrt %add3A_22 : vector<2000x1xf32>
    %mul3A = vector.broadcast %rsqrt3A : vector<2000x1xf32> to vector<2000x128xf32>
    %mul3A_23 = arith.mulf %add3A_19, %mul3A : vector<2000x128xf32>
    %get3A_24 = arith.constant 0 : index
    %get3A_25 = arith.constant 0 : index
    %get3A_26 = vector.load %arg4[%get3A_24, %get3A_25] : memref<128x128xf32, #tpu.memory_space<vmem>>, vector<128x128xf32>
    %dot_general3A = arith.constant dense<0.000000e+00> : vector<2000x128xf32>
    %dot_general3A_27 = tpu.matmul %mul3A_23, %get3A_26, %dot_general3A {dimension_numbers = #tpu.dot_dimension_numbers<[1], [1], [0], [0], [0, 0, 1, 0], [], []>, transpose_lhs_hint = false} : vector<2000x128xf32>, vector<128x128xf32>, vector<2000x128xf32> -> vector<2000x128xf32>
    %get3A_28 = arith.constant 0 : index
    %get3A_29 = arith.constant 0 : index
    %get3A_30 = vector.load %arg5[%get3A_28, %get3A_29] : memref<1x128xf32, #tpu.memory_space<vmem>>, vector<1x128xf32>
    %add3A_31 = vector.broadcast %get3A_30 : vector<1x128xf32> to vector<2000x128xf32>
    %add3A_32 = arith.addf %dot_general3A_27, %add3A_31 : vector<2000x128xf32>
    %gt3A = arith.constant 0.000000e+00 : f32
    %gt3A_33 = vector.broadcast %gt3A : f32 to vector<2000x128xf32>
    %gt3A_34 = arith.cmpf ogt, %add3A_32, %gt3A_33 : vector<2000x128xf32>
    %mul3A_35 = arith.constant 2.000000e-01 : f32
    %mul3A_36 = vector.broadcast %mul3A_35 : f32 to vector<2000x128xf32>
    %mul3A_37 = arith.mulf %mul3A_36, %add3A_32 : vector<2000x128xf32>
    %select_n3A = arith.select %gt3A_34, %add3A_32, %mul3A_37 : vector<2000x128xi1>, vector<2000x128xf32>
    %swap3A = arith.constant 0 : index
    %swap3A_38 = arith.constant 0 : index
    %swap3A_39 = vector.load %arg6[%swap3A, %swap3A_38] : memref<2000x128xf32, #tpu.memory_space<vmem>>, vector<2000x128xf32>
    tpu.vector_store %arg6[%swap3A, %swap3A_38], %select_n3A {strides = array<i32>} : memref<2000x128xf32, #tpu.memory_space<vmem>>, vector<2000x128xf32>,
    return
  }
  func.func @transform_0(%arg0: i32) -> (i32, i32) {
    %c0_i32 = arith.constant 0 : i32
    %c0_i32_0 = arith.constant 0 : i32
    return %arg0, %c0_i32 : i32, i32
  }
  func.func @transform_1(%arg0: i32) -> (i32, i32, i32) {
    %c0_i32 = arith.constant 0 : i32
    %c0_i32_0 = arith.constant 0 : i32
    %c0_i32_1 = arith.constant 0 : i32
    return %c0_i32, %arg0, %c0_i32_0 : i32, i32, i32
  }
  func.func @transform_2(%arg0: i32) -> (i32, i32) {
    %c0_i32 = arith.constant 0 : i32
    %c0_i32_0 = arith.constant 0 : i32
    return %arg0, %c0_i32 : i32, i32
  }
  func.func @transform_3(%arg0: i32) -> (i32, i32) {
    %c0_i32 = arith.constant 0 : i32
    %c0_i32_0 = arith.constant 0 : i32
    %c0_i32_1 = arith.constant 0 : i32
    return %c0_i32, %c0_i32_0 : i32, i32
  }
  func.func @transform_4(%arg0: i32) -> (i32, i32) {
    %c0_i32 = arith.constant 0 : i32
    %c0_i32_0 = arith.constant 0 : i32
    %c0_i32_1 = arith.constant 0 : i32
    return %c0_i32, %c0_i32_0 : i32, i32
  }
  func.func @transform_5(%arg0: i32) -> (i32, i32) {
    %c0_i32 = arith.constant 0 : i32
    %c0_i32_0 = arith.constant 0 : i32
    return %arg0, %c0_i32 : i32, i32
  }
}

</mosaic_0001>

<sc_bundles>
// kernel: kernel.4.cloned.1.call-start
scs
__scs_entry_jumppad:
0x0: {  	(pc) =	sbr.rel $0x88, $3  }
0x1: {  	(tag) =	ssettag $0x0;
	lr =	simm.s32 $0x1  }
0x2: {  	[smem:$0x3F9D] =	sst lr;
	_ =	strace $0xD0000000  }
0x3: {  	_ = 	snop  }
0x4: {  	_ = 	snop  }
0x5: {  	_ = 	snop  }
0x6: {  	_ = 	snop  }
0x7: {  	_ = 	snop  }
__scs_overlays_trampoline_lowered:
0x8: {  	[smem:$0x3FAC] =	sst s0  }
0x9: {  	[smem:$0x3FAD] =	sst s1  }
0xa: {  	[smem:$0x3FAE] =	sst s2  }
0xb: {  	[smem:$0x3FAF] =	sst s3  }
0xc: {  	[smem:$0x3FB0] =	sst s4  }
0xd: {  	[smem:$0x3FB1] =	sst s5  }
0xe: {  	[smem:$0x3FB2] =	sst s6  }
0xf: {  	[smem:$0x3FB3] =	sst s7  }
0x10: {  	[smem:$0x3FB4] =	sst s8  }
0x11: {  	[smem:$0x3FB5] =	sst s9;
	s0 =	simm.s32 @!p0 $0x0  }
0x12: {  	s1 =	sld [smem:$0x3F9B];
	s0 =	simm.s32 @p0 $0x1  }
0x13: {  	[smem:$0x3FB6] =	sst s0;
	s0 =	simm.s32 @!p1 $0x0  }
0x14: {  	s2 =	sld [smem:$0x3F9A];
	s0 =	simm.s32 @p1 $0x1  }
0x15: {  	[smem:$0x3FB7] =	sst s0;
	s0 =	simm.s32 @!p2 $0x0  }
0x16: {  	s3 =	sld [smem:$0x3FDB];
	s0 =	simm.s32 @p2 $0x1  }
0x17: {  	s4 =	simm.s32 $0x1BF5;
	[smem:$0x3FB9] =	sst s0  }
0x18: {  	s0 =	sld [smem:$0x3F9C];
	_ =	swait.ge [sflag:s4], $0x0  }
0x19: {  	s7 =	sld [smem:$0x3F9D]  }
0x1a: {  	s8 =	sadd.s32 $0xFFFFE003, lr  }
0x1b: {  	s9 =	sadd.s32 $0xFFFFFEF7, lr;
	s5 =	simm.s32 $0xFFFFFFFF;
	p2 =	slt.u32 s8, $0xFFFFF086  }
0x1c: {  	p1 =	slt.u32 s9, $0xF7A;
	s5 =	simm.s32 @!p2 $0x0  }
0x1d: {  	s5 =	simm.s32 @p1 $0x1;
	p0 =	seq.s32 s7, s2  }
0x1e: {  	s7 =	smul.u32 @!p0 $0xF7A, s2;
	p2 =	seq.s32 @!p0 s5, $0x0  }
0x1f: {  	s9 =	smul.u32 $0xF7A, s1;
	s8 =	simm.s32 @!p0 $0x1BF5;
	p2 =	por !p2, p0  }
0x20: {  	[sflag:s8] =	ssyncset.s32 @!p0 $0xFFFFF086;
	s6 =	sadd.s32 @!p0 s3, s7;
	s7 =	simm.s32 @!p0 $0x108  }
0x21: {  	s3 =	sadd.s32 s3, s9;
	s6 =	sadd.s32 @!p0 $0x88, s6;
	s7 =	simm.s32 @p2 $0x1082  }
0x22: {  	[simem:s7], [sflag:s8] =	dma.local @!p0 [hbm:s6], $0xF7A  }
0x23: {  	s9 =	sor.u32 $0xD0000000, s2;
	s6 =	simm.s32 $0x108;
	_ =	swait.ge @!p0 [sflag:s8], $0x0  }
0x24: {  	s3 =	sadd.s32 $0x88, s3;
	s6 =	simm.s32 @!p1 $0x1082;
	[sflag:s4] =	ssyncset.s32 $0xFFFFF086  }
0x25: {  	[simem:s6], [sflag:s4] =	dma.local [hbm:s3], $0xF7A  }
0x26: {  	[smem:$0x3F9D] =	sst s1;
	(tag) =	ssettag s2;
	_ =	strace s9  }
0x27: {  	s1 =	sld [smem:$0x3FAD]  }
0x28: {  	s2 =	sld [smem:$0x3FAE]  }
0x29: {  	s4 =	sld [smem:$0x3FB0]  }
0x2a: {  	p0 =	seq.s32 s5, $0x0;
	s5 =	sld [smem:$0x3FB1]  }
0x2b: {  	s6 =	sld [smem:$0x3FB2]  }
0x2c: {  	s7 =	sld [smem:$0x3FB3]  }
0x2d: {  	s3 =	simm.s32 $0x108;
	s8 =	sld [smem:$0x3FB4]  }
0x2e: {  	s3 =	simm.s32 @!p0 $0x1082;
	s9 =	sld [smem:$0x3FB5]  }
0x2f: {  	lr =	sadd.s32 s0, s3;
	s0 =	sld [smem:$0x3FAC]  }
0x30: {  	s3 =	sld [smem:$0x3FAF]  }
0x31: {  	[smem:$0x3FB8] =	sst s10  }
0x32: {  	s10 =	sld [smem:$0x3FB6];
	_ =	sdelay $0x3  }
0x33: {  	p0 =	seq.s32 s10, $0x1;
	s10 =	sld [smem:$0x3FB8];
	_ =	sdelay $0x3  }
0x34: {  	[smem:$0x3FB8] =	sst s10  }
0x35: {  	s10 =	sld [smem:$0x3FB7];
	_ =	sdelay $0x3  }
0x36: {  	p1 =	seq.s32 s10, $0x1;
	s10 =	sld [smem:$0x3FB8];
	_ =	sdelay $0x3  }
0x37: {  	[smem:$0x3FB8] =	sst s10  }
0x38: {  	s10 =	sld [smem:$0x3FB9]  }
0x39: {  	_ = 	snop;
	(pc) =	sbr.ind lr, $3  }
0x3a: {  	_ = 	snop  }
0x3b: {  	_ = 	snop  }
0x3c: {  	p2 =	seq.s32 s10, $0x1;
	s10 =	sld [smem:$0x3FB8]  }
0x3d: {  	_ =	shalt  }
0x3e: {  	_ =	shalt  }
0x3f: {  	_ =	shalt  }
0x40: {  	_ =	shalt  }
0x41: {  	_ =	shalt  }
0x42: {  	_ =	shalt  }
0x43: {  	_ =	shalt  }
0x44: {  	_ =	shalt  }
0x45: {  	_ =	shalt  }
0x46: {  	_ =	shalt  }
0x47: {  	_ =	shalt  }
0x48: {  	_ =	shalt  }
0x49: {  	_ =	shalt  }
0x4a: {  	_ =	shalt  }
0x4b: {  	_ =	shalt  }
0x4c: {  	_ =	shalt  }
0x4d: {  	_ =	shalt  }
0x4e: {  	_ =	shalt  }
0x4f: {  	_ =	shalt  }
0x50: {  	_ =	shalt  }
0x51: {  	_ =	shalt  }
0x52: {  	_ =	shalt  }
0x53: {  	_ =	shalt  }
0x54: {  	_ =	shalt  }
0x55: {  	_ =	shalt  }
0x56: {  	_ =	shalt  }
0x57: {  	_ =	shalt  }
0x58: {  	_ =	shalt  }
0x59: {  	_ =	shalt  }
0x5a: {  	_ =	shalt  }
0x5b: {  	_ =	shalt  }
0x5c: {  	_ =	shalt  }
0x5d: {  	_ =	shalt  }
0x5e: {  	_ =	shalt  }
0x5f: {  	_ =	shalt  }
0x60: {  	_ =	shalt  }
0x61: {  	_ =	shalt  }
0x62: {  	_ =	shalt  }
0x63: {  	_ =	shalt  }
0x64: {  	_ =	shalt  }
0x65: {  	_ =	shalt  }
0x66: {  	_ =	shalt  }
0x67: {  	_ =	shalt  }
0x68: {  	_ =	shalt  }
0x69: {  	_ =	shalt  }
0x6a: {  	_ =	shalt  }
0x6b: {  	_ =	shalt  }
0x6c: {  	_ =	shalt  }
0x6d: {  	_ =	shalt  }
0x6e: {  	_ =	shalt  }
0x6f: {  	_ =	shalt  }
0x70: {  	_ =	shalt  }
0x71: {  	_ =	shalt  }
0x72: {  	_ =	shalt  }
0x73: {  	_ =	shalt  }
0x74: {  	_ =	shalt  }
0x75: {  	_ =	shalt  }
0x76: {  	_ =	shalt  }
0x77: {  	_ =	shalt  }
0x78: {  	_ =	shalt  }
0x79: {  	_ =	shalt  }
0x7a: {  	_ =	shalt  }
0x7b: {  	_ =	shalt  }
0x7c: {  	_ =	shalt  }
0x7d: {  	_ =	shalt  }
0x7e: {  	_ =	shalt  }
0x7f: {  	_ =	shalt  }
0x80: {  	_ =	shalt  }
0x81: {  	_ =	shalt  }
0x82: {  	_ =	shalt  }
0x83: {  	_ =	shalt  }
0x84: {  	_ =	shalt  }
0x85: {  	_ =	shalt  }
0x86: {  	_ =	shalt  }
0x87: {  	_ =	shalt  }
.Lfunc_end0:
.L_simem_size_0:
called_computation_lowered:
.L_overlay_start_0:
0x88: {  	s2 =	sld [smem:$0x3FD9]  }
0x89: {  	s3 =	sld [smem:$0x3FFE];
	_ =	sdelay $0x1  }
0x8a: {  	s1 =	srdreg.scid  }
0x8b: {  	s0 =	sand.u32 $0x1, s1  }
0x8c: {  	s17 =	sshll.u32 s0, $0xA;
	s2 =	sadd.s32 s3, s2  }
0x8d: {  	s2 =	sadd.s32 s2, s17  }
0x8e: {  	[smem:$0x3FC4] =	sst s2  }
0x8f: {  	_ = 	snop  }
0x90: {  	s2 =	sld [smem:$0x3FC9]  }
0x91: {  	s18 =	sld [smem:$0x3FD0];
	(tm) =	ssettm $0x1  }
0x92: {  	s4 =	sld [smem:$0x3FFB];
	_ =	sdelay $0x3  }
0x93: {  	_ =	strace s4  }
0x94: {  	s4 =	sld [smem:$0x3FFC];
	_ =	sdelay $0x3  }
0x95: {  	_ =	strace s4  }
0x96: {  	s4 =	sld [smem:$0x3FFD];
	_ =	sdelay $0x3  }
0x97: {  	_ =	strace s4  }
0x98: {  	_ =	strace $0x8FFFFFFF  }
0x99: {  	s19 =	sld [smem:$0x3FDB];
	_ =	sdelay $0x1  }
0x9a: {  	s5 =	simm.s32 $_scs_section_size  }
0x9b: {  	s6 =	simm.s32 $_size__tile_overlayer_lowered;
	s7 =	simm.s32 $_tile_overlayer_lowered  }
0x9c: {  	s22 =	simm.s32 $0x1BFF;
	s21 =	sshll.u32 s7, $0x1;
	s4 =	sadd.s32 s5, s19  }
0x9d: {  	s8 =	simm.s32 $0x0;
	s20 =	sshll.u32 s6, $0x1;
	s6 =	sadd.s32 s21, s4  }
0x9e: {  	[timem:s8], [sflag:s22] =	dma.local [hbm:s6], s20  }
0x9f: {  	_ =	swait.ge [sflag:s22], s20  }
0xa0: {  	s5 =	ssub.s32 $0x0, s20;
	[sflag:s22] =	ssyncset.done $0x0  }
0xa1: {  	[sflag:s22] =	ssyncadd.s32 s5;
	_ =	sdelay $0x1  }
0xa2: {  	s23 =	simm.s32 $0x1B8B  }
0xa3: {  	_ =	swait.ge [sflag:s23], $0x1  }
0xa4: {  	[sflag:s23] =	ssyncset.done $0x0  }
0xa5: {  	s25 =	simm.s32 $0x1B8E;
	s24 =	sld [smem:$0x3FFE];
	[sflag:s23] =	ssyncadd.s32 $0xFFFFFFFF  }
0xa6: {  	s26 =	simm.s32 $execute0_lowered;
	[smem:$0x3FD2] =	sst s25  }
0xa7: {  	s6 =	sshll.u32 s26, $0x1;
	_ =	strace $0x80000046;
	[dreg:$0x1] =	wrdreg $0xFFFFFFFF  }
0xa8: {  	s28 =	simm.s32 $_size_execute0_lowered;
	s4 =	sadd.s32 s4, s6;
	[dreg:$0x0] =	wrdreg $0x0  }
0xa9: {  	s6 =	sshll.u32 s28, $0x1;
	[dreg:$0x2] =	wrdreg s4  }
0xaa: {  	[dreg:$0x3] =	wrdreg s6  }
0xab: {  	[dreg:$0x4] =	wrdreg $0xC0  }
0xac: {  	_ =	task [dreg:s8], $0x5FFFF  }
0xad: {  	[dreg:$0x1] =	wrdreg $0xFFFFFFFF  }
0xae: {  	[dreg:$0x0] =	wrdreg $0x60  }
0xaf: {  	[dreg:$0x2] =	wrdreg s2  }
0xb0: {  	[dreg:$0x3] =	wrdreg s24  }
0xb1: {  	[dreg:$0x4] =	wrdreg s18  }
0xb2: {  	[dreg:$0x5] =	wrdreg $0x98800  }
0xb3: {  	[dreg:$0x6] =	wrdreg $0x1D8800  }
0xb4: {  	[dreg:$0x7] =	wrdreg $0x9  }
0xb5: {  	_ =	task.clear_ibuf [dreg:s8], $0x8FFFF;
	_ =	strace $0x90000046  }
0xb6: {  	s29 =	simm.s32 $0x9;
	_ =	strace $0x80000048  }
0xb7: {  	_ =	swait.ge [sflag:s29], $0x1  }
0xb8: {  	[sflag:s29] =	ssyncadd.s32 $0xFFFFFFFF  }
0xb9: {  	_ =	strace $0x90000048  }
0xba: {  	_ =	sfence  }
0xbb: {  	s30 =	sld [smem:$0x0];
	_ =	sdelay $0x2  }
0xbc: {  	s31 =	sshll.u32 s1, $0xD;
	s1 =	sshrl.u32 s1, $0x2  }
0xbd: {  	s3 =	sand.u32 $0x4000, s31;
	s1 =	sadd.s32 s1, s30  }
0xbe: {  	s0 =	sor.u32 s3, s0;
	s1 =	sshll.u32 s1, $0x11  }
0xbf: {  	s0 =	sor.u32 s1, s0  }
0xc0: {  	s0 =	sadd.s32 $0x8F2B, s0  }
0xc1: {  	[sflag:s0] =	ssyncadd.remote.s32 $0x1  }
0xc2: {  	_ =	sfence.sel $0xFFFF  }
0xc3: {  	[dreg:$0x0] =	wrdreg $0xFFFFFFFF;
	(pc) =	sbr.abs _section_cstart, $3  }
0xc4: {  	[dreg:$0x1] =	wrdreg $0xFFFFFFFF  }
0xc5: {  	_ =	task.clear_ibuf [dreg:s8], $0x2FFFF;
	_ =	strace $0x9FFFFFFF  }
0xc6: {  	(tm) =	ssettm $0x7FFFFFFF  }
0xc7: {  	_ =	shalt  }
tec
execute0_lowered:
.L_overlay_start_1:
0x0: {  	(tag) =	ssettag $0x1  }
0x1: {  	s0 =	rddreg [dreg:$0x0]  }
0x2: {  	s1 =	rddreg [dreg:$0x1]  }
0x3: {  	s2 =	rddreg [dreg:$0x2]  }
0x4: {  	s3 =	rddreg [dreg:$0x3]  }
0x5: {  	s4 =	srdreg.scid;
	s13 =	stileid.u32  }
0x6: {  	s14 =	rddreg [dreg:$0x4];
	s28 =	simm.s32 $0x7000;
	s29 =	simm.s32 $0x7  }
0x7: {  	s30 =	simm.s32 $0x800;
	s31 =	simm.s32 $0x3;
	s5 =	sand.u32 $0x1, s4  }
0x8: {  	s6 =	smul.u32 $0x280, s13;
	s4 =	simm.s32 $0x0;
	s8 =	sshll.u32 s13, $0xA  }
0x9: {  	s9 =	sadd.s32 $0xE00, s1;
	s10 =	smul.u32 $0x50000, s13;
	p0 =	sgt.u32 s13, $0x9  }
0xa: {  	s7 =	smul.u32 $0x2800, s5;
	[smem:$0x7FF] =	sst s4;
	s26 =	ssub.s32 $0x2, s5  }
0xb: {  	s5 =	sshll.u32 s5, $0x4;
	_ =	strace $0x80000047;
	s10 =	sshrl.u32 s10, $0x2  }
0xc: {  	s11 =	sshrl.u32 s26, $0x1;
	s12 =	sor.u32 s13, s5;
	s5 =	sadd.s32 s10, s3  }
0xd: {  	s6 =	sadd.s32 s6, s7;
	s7 =	sadd.s32 s7, s8;
	s15 =	sadd.s32 $0x2800, s5  }
0xe: {  	s12 =	smul.u32 $0x2710, s12;
	s16 =	sadd.s32 $0x5000, s5;
	[dreg:$0x6] =	wrdreg s15  }
0xf: {  	s6 =	sshll.u32 s6, $0x4;
	s17 =	sadd.s32 $0x7800, s5;
	[dreg:$0x7] =	wrdreg s16  }
0x10: {  	s7 =	sshrl.u32 s7, $0x3;
	s18 =	sadd.s32 $0xA000, s5;
	[dreg:$0x8] =	wrdreg s17  }
0x11: {  	s19 =	sadd.s32 $0xC800, s5;
	s6 =	sadd.s32 s6, s1;
	[dreg:$0x9] =	wrdreg s18  }
0x12: {  	s1 =	sadd.s32 s7, s1;
	s7 =	ssub.s32 s26, s11;
	[dreg:$0xa] =	wrdreg s19  }
0x13: {  	s3 =	sshrl.u32 s12, $0x3;
	s11 =	simm.s32 $0x5;
	s12 =	simm.s32 $0x6  }
0x14: {  	s20 =	sadd.s32 s9, s3;
	s21 =	sadd.s32 s2, s3;
	s22 =	sadd.s32 $0xFA, s3  }
0x15: {  	s24 =	sadd.s32 $0x1F4, s3;
	s26 =	sadd.s32 $0x2EE, s3;
	[dreg:$0xb] =	wrdreg s20  }
0x16: {  	s3 =	sadd.s32 $0x3E8, s3;
	[dreg:$0xc] =	wrdreg s21;
	s23 =	sadd.s32 s9, s22  }
0x17: {  	s10 =	sadd.s32 s2, s22;
	s25 =	sadd.s32 s9, s24;
	s16 =	sadd.s32 s2, s24  }
0x18: {  	s17 =	sadd.s32 s9, s26;
	s18 =	sadd.s32 s2, s26;
	s19 =	sadd.s32 s9, s3  }
0x19: {  	s20 =	sadd.s32 s2, s3;
	s21 =	sadd.s32 $0xF000, s5;
	s22 =	sadd.s32 s8, s14  }
0x1a: {  	s24 =	sadd.s32 $0xAC00, s1;
	s26 =	sadd.s32 $0x11800, s5;
	s2 =	simm.s32 $0x4  }
0x1b: {  	s3 =	simm.s32 $0x1000;
	s1 =	simm.s32 $0x1800;
	[dreg:$0xd] =	wrdreg s23  }
0x1c: {  	v0 =	vlaneseq.u32;
	s8 =	simm.s32 $0x4800;
	s9 =	simm.s32 $0x1;
	[dreg:$0xe] =	wrdreg s10  }
0x1d: {  	v1 =	vimm.f32 $0.0e+00;
	v6 =	vimm.f32 $1.000000000e+00;
	v2 =	vor.u32 $0x10, v0;
	[dreg:$0xf] =	wrdreg s25;
	s23 =	sadd.s32 $0xB600, s6;
	s25 =	smax.u32 s7, $0x1  }
0x1e: {  	v3 =	vor.u32 $0x20, v0;
	v4 =	vor.u32 $0x30, v0;
	v5 =	vor.u32 $0x40, v0;
	s6 =	simm.s32 $0x50;
	s7 =	simm.s32 $0x2000;
	s10 =	simm.s32 $0x2  }
.LBB2_1:
0x1f: {  	s13 =	simm.s32 $0x0;
	s14 =	simm.s32 $0x200  }
.LBB2_2:
0x20: {  	p1 =	sne.s32 s14, $0x9E00;
	[tilespmem:s13+$0x7070] =	vst v1  }
0x21: {  	[tilespmem:s13+$0x7000] =	vst v1  }
0x22: {  	[tilespmem:s13+$0x7010] =	vst v1  }
.Ltmp0:
0x23: {  	[tilespmem:s13+$0x7020] =	vst v1;
	(pc) =	sbr.rel @p1 .LBB2_2-.Ltmp0, $4  }
0x24: {  	[tilespmem:s13+$0x7030] =	vst v1  }
0x25: {  	[tilespmem:s13+$0x7040] =	vst v1  }
0x26: {  	[tilespmem:s13+$0x7050] =	vst v1  }
0x27: {  	[tilespmem:s13+$0x7060] =	vst v1;
	s13 =	sshra.s32 s14, $0x2;
	s14 =	sadd.s32 $0x200, s14  }
0x28: {  	[tilespmem:s13+$0x7070] =	vst v1  }
0x29: {  	[tilespmem:s13+$0x7000] =	vst v1  }
0x2a: {  	[tilespmem:s13+$0x7010] =	vst v1  }
0x2b: {  	[tilespmem:s13+$0x7020] =	vst v1  }
0x2c: {  	[tilespmem:s13+$0x7030] =	vst v1  }
0x2d: {  	[tilespmem:s13+$0x7040] =	vst v1  }
0x2e: {  	[tilespmem:s13+$0x7050] =	vst v1  }
0x2f: {  	[tilespmem:s13+$0x7060] =	vst v1  }
0x30: {  	[spmem:s5] =	stream.linear.scatter [tilespmem:s28], [sflag:$0x7], $0x2800, $0x38;
	[tilespmem:$0x1DB00] =	vst v63  }
0x31: {  	_ =	swait.ge [sflag:s29], $0x2800  }
0x32: {  	[sflag:s29] =	ssyncset.done $0x0  }
0x33: {  	s14 =	rddreg [dreg:$0x6];
	[sflag:s29] =	ssyncadd.s32 $0xFFFFD800  }
0x34: {  	[spmem:s14] =	stream.linear.scatter [tilespmem:s28], [sflag:$0x7], $0x2800, $0x38;
	[tilespmem:$0x1DB00] =	vst v63  }
0x35: {  	_ =	swait.ge [sflag:s29], $0x2800  }
0x36: {  	[sflag:s29] =	ssyncset.done $0x0  }
0x37: {  	s15 =	rddreg [dreg:$0x7];
	[sflag:s29] =	ssyncadd.s32 $0xFFFFD800  }
0x38: {  	[spmem:s15] =	stream.linear.scatter [tilespmem:s28], [sflag:$0x7], $0x2800, $0x38;
	[tilespmem:$0x1DB00] =	vst v63  }
0x39: {  	_ =	swait.ge [sflag:s29], $0x2800  }
0x3a: {  	[sflag:s29] =	ssyncset.done $0x0  }
0x3b: {  	s14 =	rddreg [dreg:$0x8];
	[sflag:s29] =	ssyncadd.s32 $0xFFFFD800  }
0x3c: {  	[spmem:s14] =	stream.linear.scatter [tilespmem:s28], [sflag:$0x7], $0x2800, $0x38;
	[tilespmem:$0x1DB00] =	vst v63  }
0x3d: {  	_ =	swait.ge [sflag:s29], $0x2800  }
0x3e: {  	[sflag:s29] =	ssyncset.done $0x0  }
0x3f: {  	s15 =	rddreg [dreg:$0x9];
	[sflag:s29] =	ssyncadd.s32 $0xFFFFD800  }
0x40: {  	[spmem:s15] =	stream.linear.scatter [tilespmem:s28], [sflag:$0x7], $0x2800, $0x38;
	[tilespmem:$0x1DB00] =	vst v63  }
0x41: {  	_ =	swait.ge [sflag:s29], $0x2800  }
0x42: {  	[sflag:s29] =	ssyncset.done $0x0  }
0x43: {  	s14 =	rddreg [dreg:$0xa];
	[sflag:s29] =	ssyncadd.s32 $0xFFFFD800  }
0x44: {  	[spmem:s14] =	stream.linear.scatter [tilespmem:s28], [sflag:$0x7], $0x2800, $0x38;
	[tilespmem:$0x1DB00] =	vst v63  }
0x45: {  	_ =	swait.ge [sflag:s29], $0x2800  }
0x46: {  	[sflag:s29] =	ssyncset.done $0x0  }
0x47: {  	[sflag:s29] =	ssyncadd.s32 $0xFFFFD800  }
0x48: {  	[spmem:s21] =	stream.linear.scatter [tilespmem:s28], [sflag:$0x7], $0x2800, $0x38;
	[tilespmem:$0x1DB00] =	vst v63  }
0x49: {  	_ =	swait.ge [sflag:s29], $0x2800  }
0x4a: {  	[sflag:s29] =	ssyncset.done $0x0  }
0x4b: {  	[sflag:s29] =	ssyncadd.s32 $0xFFFFD800  }
0x4c: {  	[spmem:s26] =	stream.linear.scatter [tilespmem:s28], [sflag:$0x7], $0x2800, $0x38;
	[tilespmem:$0x1DB00] =	vst v63  }
0x4d: {  	_ =	swait.ge [sflag:s29], $0x2800  }
0x4e: {  	[sflag:s29] =	ssyncset.done $0x0  }
0x4f: {  	s13 =	simm.s32 @!p0 $0x7000;
	[sflag:s29] =	ssyncadd.s32 $0xFFFFD800  }
0x50: {  	[spmem:s22] =	stream.linear.scatter @!p0 [tilespmem:s13], [sflag:$0x7], $0x400, $0x38;
	[tilespmem:$0x1DB00] =	vst v63  }
0x51: {  	s13 =	simm.s32 @!p0 $0x7  }
0x52: {  	_ =	swait.ge @!p0 [sflag:s13], $0x400  }
0x53: {  	[sflag:s13] =	ssyncset.done @!p0 $0x0  }
0x54: {  	[sflag:s13] =	ssyncadd.s32 @!p0 $0xFFFFFC00  }
0x55: {  	[tilespmem:$0x9800] =	vst v0  }
0x56: {  	[tilespmem:$0x9810] =	vst v2  }
0x57: {  	[tilespmem:$0x9820] =	vst v3  }
0x58: {  	[tilespmem:$0x9830] =	vst v4  }
0x59: {  	[tilespmem:$0x9840] =	vst v5  }
0x5a: {  	[bflag:$0x0] =	sbarrier.arrive $0xFFFF  }
0x5b: {  	s13 =	simm.s32 $0x0;
	s14 =	rddreg [dreg:$0xb]  }
0x5c: {  	[tilespmem:s13], [sflag:$0x3] =	stream.linear.gather [hbm4b:s14+s13], $0x7D0, $0x38;
	[tilespmem:$0x1DB00] =	vst v63  }
0x5d: {  	s15 =	rddreg [dreg:$0xc]  }
0x5e: {  	[tilespmem:s30], [sflag:$0x4] =	stream.linear.gather [hbm4b:s15+s13], $0x7D0, $0x38;
	[tilespmem:$0x1DB00] =	vst v63  }
0x5f: {  	_ =	swait.ge [sflag:s31], $0x7D0  }
0x60: {  	[sflag:s31] =	ssyncset.done $0x0  }
0x61: {  	[sflag:s31] =	ssyncadd.s32 $0xFFFFF830  }
0x62: {  	_ =	swait.ge [sflag:s2], $0x7D0  }
0x63: {  	[sflag:s2] =	ssyncset.done $0x0  }
0x64: {  	s15 =	rddreg [dreg:$0xd];
	[sflag:s2] =	ssyncadd.s32 $0xFFFFF830  }
0x65: {  	[tilespmem:s3], [sflag:$0x5] =	stream.linear.gather [hbm4b:s15+s13], $0x7D0, $0x38;
	[tilespmem:$0x1DB00] =	vst v63  }
0x66: {  	s15 =	rddreg [dreg:$0xe]  }
0x67: {  	[tilespmem:s1], [sflag:$0x6] =	stream.linear.gather [hbm4b:s15+s13], $0x7D0, $0x38;
	[tilespmem:$0x1DB00] =	vst v63  }
0x68: {  	_ = 	snop  }
0x69: {  	[tilespmem:s7], [sflag:$0x1] =	stream.indirect.gather [hbm4b:s0+s6], $0x80, s13, s6, $0xb8;
	[tilespmem:$0x1DB00] =	vst v63  }
.LBB2_4:
0x6a: {  	s14 =	sshra.s32 s13, $0x2  }
0x6b: {  	s15 =	sadd.s32 $0x50, s14  }
0x6c: {  	[tilespmem:s8], [sflag:$0x2] =	stream.indirect.gather [hbm4b:s0+s6], $0x80, s15, s6, $0xb8;
	[tilespmem:$0x1DB00] =	vst v63  }
0x6d: {  	_ =	swait.ge [sflag:s9], $0x2800  }
0x6e: {  	[sflag:s9] =	ssyncset.done $0x0  }
0x6f: {  	[sflag:s9] =	ssyncadd.s32 $0xFFFFD800  }
0x70: {  	v7 =	vld [tilespmem:s14+$0x800];
	_ =	sdelay $0x7  }
0x71: {  	[tilespmem:v7+s28+$0x0] =	vst.idx.add.f32.msk $0xffff, v6  }
0x72: {  	v7 =	vld [tilespmem:s14+$0x810];
	_ =	sdelay $0x7  }
0x73: {  	[tilespmem:v7+s28+$0x0] =	vst.idx.add.f32.msk $0xffff, v6  }
0x74: {  	v7 =	vld [tilespmem:s14+$0x820];
	_ =	sdelay $0x7  }
0x75: {  	[tilespmem:v7+s28+$0x0] =	vst.idx.add.f32.msk $0xffff, v6  }
0x76: {  	v7 =	vld [tilespmem:s14+$0x830];
	_ =	sdelay $0x7  }
0x77: {  	[tilespmem:v7+s28+$0x0] =	vst.idx.add.f32.msk $0xffff, v6  }
0x78: {  	v7 =	vld [tilespmem:s14+$0x840];
	_ =	sdelay $0x7  }
0x79: {  	s15 =	sadd.s32 $0xA0, s14;
	[tilespmem:v7+s28+$0x0] =	vst.idx.add.f32.msk $0xffff, v6  }
0x7a: {  	[tilespmem:s7], [sflag:$0x1] =	stream.indirect.gather [hbm4b:s0+s6], $0x80, s15, s6, $0xb8;
	[tilespmem:$0x1DB00] =	vst v63  }
0x7b: {  	_ =	swait.ge [sflag:s10], $0x2800  }
0x7c: {  	[sflag:s10] =	ssyncset.done $0x0  }
0x7d: {  	[sflag:s10] =	ssyncadd.s32 $0xFFFFD800  }
0x7e: {  	v7 =	vld [tilespmem:s14+$0x850];
	_ =	sdelay $0x7  }
0x7f: {  	[tilespmem:v7+s28+$0x0] =	vst.idx.add.f32.msk $0xffff, v6  }
0x80: {  	v7 =	vld [tilespmem:s14+$0x860];
	_ =	sdelay $0x7  }
0x81: {  	[tilespmem:v7+s28+$0x0] =	vst.idx.add.f32.msk $0xffff, v6  }
0x82: {  	v7 =	vld [tilespmem:s14+$0x870];
	_ =	sdelay $0x7  }
0x83: {  	[tilespmem:v7+s28+$0x0] =	vst.idx.add.f32.msk $0xffff, v6  }
0x84: {  	v7 =	vld [tilespmem:s14+$0x880];
	_ =	sdelay $0x7  }
0x85: {  	[tilespmem:v7+s28+$0x0] =	vst.idx.add.f32.msk $0xffff, v6  }
0x86: {  	v7 =	vld [tilespmem:s14+$0x890];
	_ =	sdelay $0x2  }
0x87: {  	p1 =	sne.s32 s13, $0x1B80  }
.Ltmp1:
0x88: {  	_ = 	snop;
	(pc) =	sbr.rel @p1 .LBB2_4-.Ltmp1, $2  }
0x89: {  	_ =	sdelay $0x2  }
0x8a: {  	s13 =	sadd.s32 $0x280, s13;
	[tilespmem:v7+s28+$0x0] =	vst.idx.add.f32.msk $0xffff, v6  }
0x8b: {  	_ =	swait.ge [sflag:s9], $0x2800  }
0x8c: {  	[sflag:s9] =	ssyncset.done $0x0  }
0x8d: {  	[sflag:s9] =	ssyncadd.s32 $0xFFFFD800  }
0x8e: {  	v7 =	vld [tilespmem:$0xF80];
	_ =	sdelay $0x7  }
0x8f: {  	[tilespmem:v7+s28+$0x0] =	vst.idx.add.f32.msk $0xffff, v6  }
0x90: {  	v7 =	vld [tilespmem:$0xF90];
	_ =	sdelay $0x7  }
0x91: {  	[tilespmem:v7+s28+$0x0] =	vst.idx.add.f32.msk $0xffff, v6  }
0x92: {  	v7 =	vld [tilespmem:$0xFA0];
	_ =	sdelay $0x7  }
0x93: {  	[tilespmem:v7+s28+$0x0] =	vst.idx.add.f32.msk $0xffff, v6  }
0x94: {  	v7 =	vld [tilespmem:$0xFB0];
	_ =	sdelay $0x7  }
0x95: {  	[tilespmem:v7+s28+$0x0] =	vst.idx.add.f32.msk $0xffff, v6  }
0x96: {  	v7 =	vld [tilespmem:$0xFC0];
	_ =	sdelay $0x7  }
0x97: {  	[tilespmem:v7+s28+$0x0] =	vst.idx.add.f32.msk $0xffff, v6  }
0x98: {  	_ =	swait.ge [sflag:s11], $0x7D0  }
0x99: {  	[sflag:s11] =	ssyncset.done $0x0  }
0x9a: {  	[sflag:s11] =	ssyncadd.s32 $0xFFFFF830  }
0x9b: {  	_ =	swait.ge [sflag:s12], $0x7D0  }
0x9c: {  	[sflag:s12] =	ssyncset.done $0x0  }
0x9d: {  	s13 =	simm.s32 $0x0;
	s14 =	rddreg [dreg:$0xf];
	[sflag:s12] =	ssyncadd.s32 $0xFFFFF830  }
0x9e: {  	[tilespmem:s13], [sflag:$0x3] =	stream.linear.gather [hbm4b:s14+s13], $0x7D0, $0x38;
	[tilespmem:$0x1DB00] =	vst v63  }
0x9f: {  	_ = 	snop  }
0xa0: {  	[tilespmem:s30], [sflag:$0x4] =	stream.linear.gather [hbm4b:s16+s13], $0x7D0, $0x38;
	[tilespmem:$0x1DB00] =	vst v63  }
0xa1: {  	_ = 	snop  }
0xa2: {  	[tilespmem:s7], [sflag:$0x1] =	stream.indirect.gather [hbm4b:s0+s6], $0x80, s3, s6, $0xb8;
	[tilespmem:$0x1DB00] =	vst v63  }
.LBB2_6:
0xa3: {  	s14 =	sshra.s32 s13, $0x2  }
0xa4: {  	s15 =	sadd.s32 $0x1050, s14  }
0xa5: {  	[tilespmem:s8], [sflag:$0x2] =	stream.indirect.gather [hbm4b:s0+s6], $0x80, s15, s6, $0xb8;
	[tilespmem:$0x1DB00] =	vst v63  }
0xa6: {  	_ =	swait.ge [sflag:s9], $0x2800  }
0xa7: {  	[sflag:s9] =	ssyncset.done $0x0  }
0xa8: {  	[sflag:s9] =	ssyncadd.s32 $0xFFFFD800  }
0xa9: {  	v7 =	vld [tilespmem:s14+$0x1800];
	_ =	sdelay $0x7  }
0xaa: {  	[tilespmem:v7+s28+$0x0] =	vst.idx.add.f32.msk $0xffff, v6  }
0xab: {  	v7 =	vld [tilespmem:s14+$0x1810];
	_ =	sdelay $0x7  }
0xac: {  	[tilespmem:v7+s28+$0x0] =	vst.idx.add.f32.msk $0xffff, v6  }
0xad: {  	v7 =	vld [tilespmem:s14+$0x1820];
	_ =	sdelay $0x7  }
0xae: {  	[tilespmem:v7+s28+$0x0] =	vst.idx.add.f32.msk $0xffff, v6  }
0xaf: {  	v7 =	vld [tilespmem:s14+$0x1830];
	_ =	sdelay $0x7  }
0xb0: {  	[tilespmem:v7+s28+$0x0] =	vst.idx.add.f32.msk $0xffff, v6  }
0xb1: {  	v7 =	vld [tilespmem:s14+$0x1840];
	_ =	sdelay $0x7  }
0xb2: {  	s15 =	sadd.s32 $0x10A0, s14;
	[tilespmem:v7+s28+$0x0] =	vst.idx.add.f32.msk $0xffff, v6  }
0xb3: {  	[tilespmem:s7], [sflag:$0x1] =	stream.indirect.gather [hbm4b:s0+s6], $0x80, s15, s6, $0xb8;
	[tilespmem:$0x1DB00] =	vst v63  }
0xb4: {  	_ =	swait.ge [sflag:s10], $0x2800  }
0xb5: {  	[sflag:s10] =	ssyncset.done $0x0  }
0xb6: {  	[sflag:s10] =	ssyncadd.s32 $0xFFFFD800  }
0xb7: {  	v7 =	vld [tilespmem:s14+$0x1850];
	_ =	sdelay $0x7  }
0xb8: {  	[tilespmem:v7+s28+$0x0] =	vst.idx.add.f32.msk $0xffff, v6  }
0xb9: {  	v7 =	vld [tilespmem:s14+$0x1860];
	_ =	sdelay $0x7  }
0xba: {  	[tilespmem:v7+s28+$0x0] =	vst.idx.add.f32.msk $0xffff, v6  }
0xbb: {  	v7 =	vld [tilespmem:s14+$0x1870];
	_ =	sdelay $0x7  }
0xbc: {  	[tilespmem:v7+s28+$0x0] =	vst.idx.add.f32.msk $0xffff, v6  }
0xbd: {  	v7 =	vld [tilespmem:s14+$0x1880];
	_ =	sdelay $0x7  }
0xbe: {  	[tilespmem:v7+s28+$0x0] =	vst.idx.add.f32.msk $0xffff, v6  }
0xbf: {  	v7 =	vld [tilespmem:s14+$0x1890];
	_ =	sdelay $0x2  }
0xc0: {  	p1 =	sne.s32 s13, $0x1B80  }
.Ltmp2:
0xc1: {  	_ = 	snop;
	(pc) =	sbr.rel @p1 .LBB2_6-.Ltmp2, $2  }
0xc2: {  	_ =	sdelay $0x2  }
0xc3: {  	s13 =	sadd.s32 $0x280, s13;
	[tilespmem:v7+s28+$0x0] =	vst.idx.add.f32.msk $0xffff, v6  }
0xc4: {  	_ =	swait.ge [sflag:s9], $0x2800  }
0xc5: {  	[sflag:s9] =	ssyncset.done $0x0  }
0xc6: {  	[sflag:s9] =	ssyncadd.s32 $0xFFFFD800  }
0xc7: {  	v7 =	vld [tilespmem:$0x1F80];
	_ =	sdelay $0x7  }
0xc8: {  	[tilespmem:v7+s28+$0x0] =	vst.idx.add.f32.msk $0xffff, v6  }
0xc9: {  	v7 =	vld [tilespmem:$0x1F90];
	_ =	sdelay $0x7  }
0xca: {  	[tilespmem:v7+s28+$0x0] =	vst.idx.add.f32.msk $0xffff, v6  }
0xcb: {  	v7 =	vld [tilespmem:$0x1FA0];
	_ =	sdelay $0x7  }
0xcc: {  	[tilespmem:v7+s28+$0x0] =	vst.idx.add.f32.msk $0xffff, v6  }
0xcd: {  	v7 =	vld [tilespmem:$0x1FB0];
	_ =	sdelay $0x7  }
0xce: {  	[tilespmem:v7+s28+$0x0] =	vst.idx.add.f32.msk $0xffff, v6  }
0xcf: {  	v7 =	vld [tilespmem:$0x1FC0];
	_ =	sdelay $0x7  }
0xd0: {  	[tilespmem:v7+s28+$0x0] =	vst.idx.add.f32.msk $0xffff, v6  }
0xd1: {  	_ =	swait.ge [sflag:s31], $0x7D0  }
0xd2: {  	[sflag:s31] =	ssyncset.done $0x0  }
0xd3: {  	[sflag:s31] =	ssyncadd.s32 $0xFFFFF830  }
0xd4: {  	_ =	swait.ge [sflag:s2], $0x7D0  }
0xd5: {  	[sflag:s2] =	ssyncset.done $0x0  }
0xd6: {  	s13 =	simm.s32 $0x0;
	[sflag:s2] =	ssyncadd.s32 $0xFFFFF830  }
0xd7: {  	[tilespmem:s3], [sflag:$0x5] =	stream.linear.gather [hbm4b:s17+s13], $0x7D0, $0x38;
	[tilespmem:$0x1DB00] =	vst v63  }
0xd8: {  	_ = 	snop  }
0xd9: {  	[tilespmem:s1], [sflag:$0x6] =	stream.linear.gather [hbm4b:s18+s13], $0x7D0, $0x38;
	[tilespmem:$0x1DB00] =	vst v63  }
0xda: {  	_ = 	snop  }
0xdb: {  	[tilespmem:s7], [sflag:$0x1] =	stream.indirect.gather [hbm4b:s0+s6], $0x80, s13, s6, $0xb8;
	[tilespmem:$0x1DB00] =	vst v63  }
.LBB2_8:
0xdc: {  	s14 =	sshra.s32 s13, $0x2  }
0xdd: {  	s15 =	sadd.s32 $0x50, s14  }
0xde: {  	[tilespmem:s8], [sflag:$0x2] =	stream.indirect.gather [hbm4b:s0+s6], $0x80, s15, s6, $0xb8;
	[tilespmem:$0x1DB00] =	vst v63  }
0xdf: {  	_ =	swait.ge [sflag:s9], $0x2800  }
0xe0: {  	[sflag:s9] =	ssyncset.done $0x0  }
0xe1: {  	[sflag:s9] =	ssyncadd.s32 $0xFFFFD800  }
0xe2: {  	v7 =	vld [tilespmem:s14+$0x800];
	_ =	sdelay $0x7  }
0xe3: {  	[tilespmem:v7+s28+$0x0] =	vst.idx.add.f32.msk $0xffff, v6  }
0xe4: {  	v7 =	vld [tilespmem:s14+$0x810];
	_ =	sdelay $0x7  }
0xe5: {  	[tilespmem:v7+s28+$0x0] =	vst.idx.add.f32.msk $0xffff, v6  }
0xe6: {  	v7 =	vld [tilespmem:s14+$0x820];
	_ =	sdelay $0x7  }
0xe7: {  	[tilespmem:v7+s28+$0x0] =	vst.idx.add.f32.msk $0xffff, v6  }
0xe8: {  	v7 =	vld [tilespmem:s14+$0x830];
	_ =	sdelay $0x7  }
0xe9: {  	[tilespmem:v7+s28+$0x0] =	vst.idx.add.f32.msk $0xffff, v6  }
0xea: {  	v7 =	vld [tilespmem:s14+$0x840];
	_ =	sdelay $0x7  }
0xeb: {  	s15 =	sadd.s32 $0xA0, s14;
	[tilespmem:v7+s28+$0x0] =	vst.idx.add.f32.msk $0xffff, v6  }
0xec: {  	[tilespmem:s7], [sflag:$0x1] =	stream.indirect.gather [hbm4b:s0+s6], $0x80, s15, s6, $0xb8;
	[tilespmem:$0x1DB00] =	vst v63  }
0xed: {  	_ =	swait.ge [sflag:s10], $0x2800  }
0xee: {  	[sflag:s10] =	ssyncset.done $0x0  }
0xef: {  	[sflag:s10] =	ssyncadd.s32 $0xFFFFD800  }
0xf0: {  	v7 =	vld [tilespmem:s14+$0x850];
	_ =	sdelay $0x7  }
0xf1: {  	[tilespmem:v7+s28+$0x0] =	vst.idx.add.f32.msk $0xffff, v6  }
0xf2: {  	v7 =	vld [tilespmem:s14+$0x860];
	_ =	sdelay $0x7  }
0xf3: {  	[tilespmem:v7+s28+$0x0] =	vst.idx.add.f32.msk $0xffff, v6  }
0xf4: {  	v7 =	vld [tilespmem:s14+$0x870];
	_ =	sdelay $0x7  }
0xf5: {  	[tilespmem:v7+s28+$0x0] =	vst.idx.add.f32.msk $0xffff, v6  }
0xf6: {  	v7 =	vld [tilespmem:s14+$0x880];
	_ =	sdelay $0x7  }
0xf7: {  	[tilespmem:v7+s28+$0x0] =	vst.idx.add.f32.msk $0xffff, v6  }
0xf8: {  	v7 =	vld [tilespmem:s14+$0x890];
	_ =	sdelay $0x2  }
0xf9: {  	p1 =	sne.s32 s13, $0x1B80  }
.Ltmp3:
0xfa: {  	_ = 	snop;
	(pc) =	sbr.rel @p1 .LBB2_8-.Ltmp3, $2  }
0xfb: {  	_ =	sdelay $0x2  }
0xfc: {  	s13 =	sadd.s32 $0x280, s13;
	[tilespmem:v7+s28+$0x0] =	vst.idx.add.f32.msk $0xffff, v6  }
0xfd: {  	_ =	swait.ge [sflag:s9], $0x2800  }
0xfe: {  	[sflag:s9] =	ssyncset.done $0x0  }
0xff: {  	[sflag:s9] =	ssyncadd.s32 $0xFFFFD800  }
0x100: {  	v7 =	vld [tilespmem:$0xF80];
	_ =	sdelay $0x7  }
0x101: {  	[tilespmem:v7+s28+$0x0] =	vst.idx.add.f32.msk $0xffff, v6  }
0x102: {  	v7 =	vld [tilespmem:$0xF90];
	_ =	sdelay $0x7  }
0x103: {  	[tilespmem:v7+s28+$0x0] =	vst.idx.add.f32.msk $0xffff, v6  }
0x104: {  	v7 =	vld [tilespmem:$0xFA0];
	_ =	sdelay $0x7  }
0x105: {  	[tilespmem:v7+s28+$0x0] =	vst.idx.add.f32.msk $0xffff, v6  }
0x106: {  	v7 =	vld [tilespmem:$0xFB0];
	_ =	sdelay $0x7  }
0x107: {  	[tilespmem:v7+s28+$0x0] =	vst.idx.add.f32.msk $0xffff, v6  }
0x108: {  	v7 =	vld [tilespmem:$0xFC0];
	_ =	sdelay $0x7  }
0x109: {  	[tilespmem:v7+s28+$0x0] =	vst.idx.add.f32.msk $0xffff, v6  }
0x10a: {  	_ =	swait.ge [sflag:s11], $0x7D0  }
0x10b: {  	[sflag:s11] =	ssyncset.done $0x0  }
0x10c: {  	[sflag:s11] =	ssyncadd.s32 $0xFFFFF830  }
0x10d: {  	_ =	swait.ge [sflag:s12], $0x7D0  }
0x10e: {  	[sflag:s12] =	ssyncset.done $0x0  }
0x10f: {  	s13 =	simm.s32 $0x0;
	[sflag:s12] =	ssyncadd.s32 $0xFFFFF830  }
0x110: {  	[tilespmem:s13], [sflag:$0x3] =	stream.linear.gather [hbm4b:s19+s13], $0x7D0, $0x38;
	[tilespmem:$0x1DB00] =	vst v63  }
0x111: {  	_ = 	snop  }
0x112: {  	[tilespmem:s30], [sflag:$0x4] =	stream.linear.gather [hbm4b:s20+s13], $0x7D0, $0x38;
	[tilespmem:$0x1DB00] =	vst v63  }
0x113: {  	_ = 	snop  }
0x114: {  	[tilespmem:s7], [sflag:$0x1] =	stream.indirect.gather [hbm4b:s0+s6], $0x80, s3, s6, $0xb8;
	[tilespmem:$0x1DB00] =	vst v63  }
.LBB2_10:
0x115: {  	s14 =	sshra.s32 s13, $0x2  }
0x116: {  	s15 =	sadd.s32 $0x1050, s14  }
0x117: {  	[tilespmem:s8], [sflag:$0x2] =	stream.indirect.gather [hbm4b:s0+s6], $0x80, s15, s6, $0xb8;
	[tilespmem:$0x1DB00] =	vst v63  }
0x118: {  	_ =	swait.ge [sflag:s9], $0x2800  }
0x119: {  	[sflag:s9] =	ssyncset.done $0x0  }
0x11a: {  	[sflag:s9] =	ssyncadd.s32 $0xFFFFD800  }
0x11b: {  	v7 =	vld [tilespmem:s14+$0x1800];
	_ =	sdelay $0x7  }
0x11c: {  	[tilespmem:v7+s28+$0x0] =	vst.idx.add.f32.msk $0xffff, v6  }
0x11d: {  	v7 =	vld [tilespmem:s14+$0x1810];
	_ =	sdelay $0x7  }
0x11e: {  	[tilespmem:v7+s28+$0x0] =	vst.idx.add.f32.msk $0xffff, v6  }
0x11f: {  	v7 =	vld [tilespmem:s14+$0x1820];
	_ =	sdelay $0x7  }
0x120: {  	[tilespmem:v7+s28+$0x0] =	vst.idx.add.f32.msk $0xffff, v6  }
0x121: {  	v7 =	vld [tilespmem:s14+$0x1830];
	_ =	sdelay $0x7  }
0x122: {  	[tilespmem:v7+s28+$0x0] =	vst.idx.add.f32.msk $0xffff, v6  }
0x123: {  	v7 =	vld [tilespmem:s14+$0x1840];
	_ =	sdelay $0x7  }
0x124: {  	s15 =	sadd.s32 $0x10A0, s14;
	[tilespmem:v7+s28+$0x0] =	vst.idx.add.f32.msk $0xffff, v6  }
0x125: {  	[tilespmem:s7], [sflag:$0x1] =	stream.indirect.gather [hbm4b:s0+s6], $0x80, s15, s6, $0xb8;
	[tilespmem:$0x1DB00] =	vst v63  }
0x126: {  	_ =	swait.ge [sflag:s10], $0x2800  }
0x127: {  	[sflag:s10] =	ssyncset.done $0x0  }
0x128: {  	[sflag:s10] =	ssyncadd.s32 $0xFFFFD800  }
0x129: {  	v7 =	vld [tilespmem:s14+$0x1850];
	_ =	sdelay $0x7  }
0x12a: {  	[tilespmem:v7+s28+$0x0] =	vst.idx.add.f32.msk $0xffff, v6  }
0x12b: {  	v7 =	vld [tilespmem:s14+$0x1860];
	_ =	sdelay $0x7  }
0x12c: {  	[tilespmem:v7+s28+$0x0] =	vst.idx.add.f32.msk $0xffff, v6  }
0x12d: {  	v7 =	vld [tilespmem:s14+$0x1870];
	_ =	sdelay $0x7  }
0x12e: {  	[tilespmem:v7+s28+$0x0] =	vst.idx.add.f32.msk $0xffff, v6  }
0x12f: {  	v7 =	vld [tilespmem:s14+$0x1880];
	_ =	sdelay $0x7  }
0x130: {  	[tilespmem:v7+s28+$0x0] =	vst.idx.add.f32.msk $0xffff, v6  }
0x131: {  	v7 =	vld [tilespmem:s14+$0x1890];
	_ =	sdelay $0x2  }
0x132: {  	p1 =	sne.s32 s13, $0x1B80  }
.Ltmp4:
0x133: {  	_ = 	snop;
	(pc) =	sbr.rel @p1 .LBB2_10-.Ltmp4, $2  }
0x134: {  	_ =	sdelay $0x2  }
0x135: {  	s13 =	sadd.s32 $0x280, s13;
	[tilespmem:v7+s28+$0x0] =	vst.idx.add.f32.msk $0xffff, v6  }
0x136: {  	_ =	swait.ge [sflag:s9], $0x2800  }
0x137: {  	[sflag:s9] =	ssyncset.done $0x0  }
0x138: {  	[sflag:s9] =	ssyncadd.s32 $0xFFFFD800  }
0x139: {  	v7 =	vld [tilespmem:$0x1F80];
	_ =	sdelay $0x7  }
0x13a: {  	[tilespmem:v7+s28+$0x0] =	vst.idx.add.f32.msk $0xffff, v6  }
0x13b: {  	v7 =	vld [tilespmem:$0x1F90];
	_ =	sdelay $0x7  }
0x13c: {  	[tilespmem:v7+s28+$0x0] =	vst.idx.add.f32.msk $0xffff, v6  }
0x13d: {  	v7 =	vld [tilespmem:$0x1FA0];
	_ =	sdelay $0x7  }
0x13e: {  	[tilespmem:v7+s28+$0x0] =	vst.idx.add.f32.msk $0xffff, v6  }
0x13f: {  	v7 =	vld [tilespmem:$0x1FB0];
	_ =	sdelay $0x7  }
0x140: {  	[tilespmem:v7+s28+$0x0] =	vst.idx.add.f32.msk $0xffff, v6  }
0x141: {  	v7 =	vld [tilespmem:$0x1FC0];
	_ =	sdelay $0x7  }
0x142: {  	[tilespmem:v7+s28+$0x0] =	vst.idx.add.f32.msk $0xffff, v6  }
0x143: {  	_ =	swait.ge [sflag:s31], $0x7D0  }
0x144: {  	[sflag:s31] =	ssyncset.done $0x0  }
0x145: {  	[sflag:s31] =	ssyncadd.s32 $0xFFFFF830  }
0x146: {  	_ =	swait.ge [sflag:s2], $0x7D0  }
0x147: {  	[sflag:s2] =	ssyncset.done $0x0  }
0x148: {  	s13 =	simm.s32 $0x0;
	[sflag:s2] =	ssyncadd.s32 $0xFFFFF830  }
0x149: {  	[tilespmem:s7], [sflag:$0x1] =	stream.indirect.gather [hbm4b:s0+s6], $0x80, s13, s6, $0xb8;
	[tilespmem:$0x1DB00] =	vst v63  }
.LBB2_12:
0x14a: {  	s14 =	sshra.s32 s13, $0x2  }
0x14b: {  	s15 =	sadd.s32 $0x50, s14  }
0x14c: {  	[tilespmem:s8], [sflag:$0x2] =	stream.indirect.gather [hbm4b:s0+s6], $0x80, s15, s6, $0xb8;
	[tilespmem:$0x1DB00] =	vst v63  }
0x14d: {  	_ =	swait.ge [sflag:s9], $0x2800  }
0x14e: {  	[sflag:s9] =	ssyncset.done $0x0  }
0x14f: {  	[sflag:s9] =	ssyncadd.s32 $0xFFFFD800  }
0x150: {  	v7 =	vld [tilespmem:s14+$0x800];
	_ =	sdelay $0x7  }
0x151: {  	[tilespmem:v7+s28+$0x0] =	vst.idx.add.f32.msk $0xffff, v6  }
0x152: {  	v7 =	vld [tilespmem:s14+$0x810];
	_ =	sdelay $0x7  }
0x153: {  	[tilespmem:v7+s28+$0x0] =	vst.idx.add.f32.msk $0xffff, v6  }
0x154: {  	v7 =	vld [tilespmem:s14+$0x820];
	_ =	sdelay $0x7  }
0x155: {  	[tilespmem:v7+s28+$0x0] =	vst.idx.add.f32.msk $0xffff, v6  }
0x156: {  	v7 =	vld [tilespmem:s14+$0x830];
	_ =	sdelay $0x7  }
0x157: {  	[tilespmem:v7+s28+$0x0] =	vst.idx.add.f32.msk $0xffff, v6  }
0x158: {  	v7 =	vld [tilespmem:s14+$0x840];
	_ =	sdelay $0x7  }
0x159: {  	s15 =	sadd.s32 $0xA0, s14;
	[tilespmem:v7+s28+$0x0] =	vst.idx.add.f32.msk $0xffff, v6  }
0x15a: {  	[tilespmem:s7], [sflag:$0x1] =	stream.indirect.gather [hbm4b:s0+s6], $0x80, s15, s6, $0xb8;
	[tilespmem:$0x1DB00] =	vst v63  }
0x15b: {  	_ =	swait.ge [sflag:s10], $0x2800  }
0x15c: {  	[sflag:s10] =	ssyncset.done $0x0  }
0x15d: {  	[sflag:s10] =	ssyncadd.s32 $0xFFFFD800  }
0x15e: {  	v7 =	vld [tilespmem:s14+$0x850];
	_ =	sdelay $0x7  }
0x15f: {  	[tilespmem:v7+s28+$0x0] =	vst.idx.add.f32.msk $0xffff, v6  }
0x160: {  	v7 =	vld [tilespmem:s14+$0x860];
	_ =	sdelay $0x7  }
0x161: {  	[tilespmem:v7+s28+$0x0] =	vst.idx.add.f32.msk $0xffff, v6  }
0x162: {  	v7 =	vld [tilespmem:s14+$0x870];
	_ =	sdelay $0x7  }
0x163: {  	[tilespmem:v7+s28+$0x0] =	vst.idx.add.f32.msk $0xffff, v6  }
0x164: {  	v7 =	vld [tilespmem:s14+$0x880];
	_ =	sdelay $0x7  }
0x165: {  	[tilespmem:v7+s28+$0x0] =	vst.idx.add.f32.msk $0xffff, v6  }
0x166: {  	v7 =	vld [tilespmem:s14+$0x890];
	_ =	sdelay $0x2  }
0x167: {  	p1 =	sne.s32 s13, $0x1B80  }
.Ltmp5:
0x168: {  	_ = 	snop;
	(pc) =	sbr.rel @p1 .LBB2_12-.Ltmp5, $2  }
0x169: {  	_ =	sdelay $0x2  }
0x16a: {  	s13 =	sadd.s32 $0x280, s13;
	[tilespmem:v7+s28+$0x0] =	vst.idx.add.f32.msk $0xffff, v6  }
0x16b: {  	_ =	swait.ge [sflag:s9], $0x2800  }
0x16c: {  	[sflag:s9] =	ssyncset.done $0x0  }
0x16d: {  	[sflag:s9] =	ssyncadd.s32 $0xFFFFD800  }
0x16e: {  	v7 =	vld [tilespmem:$0xF80];
	_ =	sdelay $0x7  }
0x16f: {  	[tilespmem:v7+s28+$0x0] =	vst.idx.add.f32.msk $0xffff, v6  }
0x170: {  	v7 =	vld [tilespmem:$0xF90];
	_ =	sdelay $0x7  }
0x171: {  	[tilespmem:v7+s28+$0x0] =	vst.idx.add.f32.msk $0xffff, v6  }
0x172: {  	v7 =	vld [tilespmem:$0xFA0];
	_ =	sdelay $0x7  }
0x173: {  	[tilespmem:v7+s28+$0x0] =	vst.idx.add.f32.msk $0xffff, v6  }
0x174: {  	v7 =	vld [tilespmem:$0xFB0];
	_ =	sdelay $0x7  }
0x175: {  	[tilespmem:v7+s28+$0x0] =	vst.idx.add.f32.msk $0xffff, v6  }
0x176: {  	v7 =	vld [tilespmem:$0xFC0];
	_ =	sdelay $0x7  }
0x177: {  	s14 =	simm.s32 $0x9800;
	s13 =	rddreg [dreg:$0x4];
	[tilespmem:v7+s28+$0x0] =	vst.idx.add.f32.msk $0xffff, v6  }
0x178: {  	[spmem:s13] =	stream.indirect.scatter.add.f32 [tilespmem:s28], [sflag:$0x7], $0x80, s14, s6, $0xb8;
	[tilespmem:$0x1DB00] =	vst v63  }
0x179: {  	_ =	swait.ge [sflag:s29], $0x2800  }
0x17a: {  	s14 =	stileid.u32;
	[sflag:s29] =	ssyncset.done $0x0  }
0x17b: {  	s13 =	sshll.u32 s14, $0x6;
	[sflag:s29] =	ssyncadd.s32 $0xFFFFD800  }
0x17c: {  	s15 =	sshrl.u32 s5, $0x3;
	s13 =	sor.u32 $0x1C07, s13;
	[bflag:$0x0] =	sbarrier.arrive $0xFFFF  }
0x17d: {  	[hbm:s23], [sflag:s13] =	dma.local [spmem:s15], $0x2800  }
0x17e: {  	_ =	swait.ge [sflag:s29], $0x2800  }
0x17f: {  	s4 =	sadd.s32 $0x1, s4;
	[sflag:s29] =	ssyncset.done $0x0  }
0x180: {  	p1 =	sne.s32 s4, s25;
	s14 =	sshrl.u32 @!p0 s22, $0x3;
	[sflag:s29] =	ssyncadd.s32 $0xFFFFD800  }
0x181: {  	[hbm:s24], [sflag:s13] =	dma.local @!p0 [spmem:s14], $0x80  }
.Ltmp6:
0x182: {  	_ = 	snop;
	(pc) =	sbr.rel @p1 .LBB2_1-.Ltmp6, $4  }
0x183: {  	s13 =	simm.s32 @!p0 $0x7  }
0x184: {  	_ =	swait.ge @!p0 [sflag:s13], $0x80  }
0x185: {  	[sflag:s13] =	ssyncset.done @!p0 $0x0  }
0x186: {  	[sflag:s13] =	ssyncadd.s32 @!p0 $0xFFFFFF80  }
0x187: {  	_ =	sfence.sel $0x180000  }
0x188: {  	[bflag:$0x0] =	sbarrier.arrive $0xFFFF  }
0x189: {  	_ =	strace $0x90000047  }
0x18a: {  	s0 =	stileid.u32;
	[bflag:$0x2] =	sbarrier.arrive $0xFFFF  }
0x18b: {  	p0 =	sne.s32 s0, $0x0;
	s0 =	rddreg [dreg:$0x5]  }
0x18c: {  	s0 =	sadd.s32 @!p0 $0x100000, s0  }
0x18d: {  	[sflag:s0] =	ssyncadd.tile.s32 @!p0 $0x1;
	_ =	shalt  }
.Lfunc_end2:
_tile_overlayer_lowered:
.L_overlay_start_2:
0x18e: {  	(tag) =	ssettag $0x2  }
0x18f: {  	s0 =	rddreg [dreg:$0x0];
	s2 =	stileid.u32  }
0x190: {  	s1 =	rddreg [dreg:$0x1];
	p0 =	sne.s32 s2, $0x0  }
0x191: {  	s3 =	rddreg [dreg:$0x2];
	[bflag:$0x3] =	sbarrier.arrive $0xFFFF;
	s2 =	simm.s32 @!p0 $0x1C07  }
0x192: {  	[timem:s3], [sflag:s2] =	dma.local @!p0 [hbm:s0], s1  }
0x193: {  	s0 =	simm.s32 @!p0 $0x7  }
0x194: {  	_ =	swait.ge @!p0 [sflag:s0], s1  }
0x195: {  	s1 =	ssub.s32 @!p0 $0x0, s1;
	[sflag:s0] =	ssyncset.done @!p0 $0x0  }
0x196: {  	[sflag:s0] =	ssyncadd.s32 @!p0 s1  }
0x197: {  	[bflag:$0x3] =	sbarrier.arrive $0xFFFF  }
0x198: {  	_ =	shalt  }

</sc_bundles>
